<compile_context>
chip_gen: v7x
topology: tpu7x:2x2x1
jax: 0.10.2.dev20260603
libtpu: 0.0.44.dev20260713+nightly
codegen_flags: <defaults>
</compile_context>

<pallas_src>
import functools

import jax
import jax.numpy as jnp
from jax import lax
from jax.experimental import pallas as pl
from jax.experimental.pallas import tpu as pltpu
from jax.experimental.pallas import tpu_sc as plsc

BATCH = 4096
SEQ_LEN = 200
EMBED_DIM = 64
NUM_ROWS = BATCH * SEQ_LEN

NC = 2
NS = 16
NW = NC * NS

ROWS_PER_WORKER = NUM_ROWS // NW
SEQS_PER_CHUNK = 2
CHUNK = SEQS_PER_CHUNK * SEQ_LEN
NCHUNK = ROWS_PER_WORKER // CHUNK
NBUF = 4


def _make_kernel():
  mesh = plsc.VectorSubcoreMesh(
      core_axis_name="c", subcore_axis_name="s",
      num_cores=NC, num_subcores=NS)

  @functools.partial(
      pl.kernel,
      out_type=jax.ShapeDtypeStruct((NUM_ROWS, EMBED_DIM), jnp.float32),
      mesh=mesh,
      scratch_types=[
          pltpu.VMEM((NBUF, CHUNK), jnp.int32),
          pltpu.VMEM((NBUF, CHUNK, EMBED_DIM), jnp.float32),
          pltpu.VMEM_SHARED((CHUNK, EMBED_DIM), jnp.float32),
          [pltpu.SemaphoreType.DMA] * NBUF,
          [pltpu.SemaphoreType.DMA] * NBUF,
          [pltpu.SemaphoreType.DMA] * NBUF,
          [pltpu.SemaphoreType.DMA] * NBUF,
      ],
      compiler_params=pltpu.CompilerParams(use_tc_tiling_on_sc=False),
  )
  def emb_kernel(idx_hbm, table_hbm, pos_hbm, out_hbm,
                 idx_v, rows_v, pos_sh, isem, fsem, gsem, wsem):
    cid = lax.axis_index("c")
    sid = lax.axis_index("s")
    wid = sid * NC + cid
    wbase = wid * ROWS_PER_WORKER

    def idx_start(c, slot):
      pltpu.async_copy(idx_hbm.at[pl.ds(wbase + c * CHUNK, CHUNK)],
                       idx_v.at[slot], isem[slot])

    def idx_wait(slot):
      pltpu.make_async_copy(idx_hbm.at[pl.ds(0, CHUNK)],
                            idx_v.at[slot], isem[slot]).wait()

    def fill_start(slot):
      pltpu.async_copy(pos_sh, rows_v.at[slot], fsem[slot])

    def fill_wait(slot):
      pltpu.make_async_copy(pos_sh, rows_v.at[slot], fsem[slot]).wait()

    def gather_start(slot):
      pltpu.async_copy(table_hbm.at[idx_v.at[slot]], rows_v.at[slot],
                       gsem[slot], add=True)

    def gather_wait(slot):
      pltpu.make_async_copy(table_hbm.at[idx_v.at[slot]], rows_v.at[slot],
                            gsem[slot]).wait()

    def wb_start(c, slot):
      pltpu.async_copy(rows_v.at[slot],
                       out_hbm.at[pl.ds(wbase + c * CHUNK, CHUNK)],
                       wsem[slot])

    def wb_wait(slot):
      pltpu.make_async_copy(rows_v.at[slot],
                            out_hbm.at[pl.ds(0, CHUNK)], wsem[slot]).wait()

    def stage(i, b, do_wb_wait, do_idx, do_gather):
      if do_wb_wait:
        wb_wait((b + 2) % NBUF)
      if do_gather:
        fill_start((b + 2) % NBUF)
      if do_idx:
        idx_start(i + 3, (b + 3) % NBUF)
      if do_gather:
        idx_wait((b + 2) % NBUF)
        fill_wait((b + 2) % NBUF)
        gather_start((b + 2) % NBUF)
      gather_wait(b)
      wb_start(i, b)

    @pl.when(sid == 0)
    def _():
      for s in range(SEQS_PER_CHUNK):
        pltpu.sync_copy(pos_hbm.at[pl.ds(0, SEQ_LEN)],
                        pos_sh.at[pl.ds(s * SEQ_LEN, SEQ_LEN)])
    plsc.subcore_barrier()

    for c in range(3):
      idx_start(c, c)
    for c in range(2):
      fill_start(c)
    for c in range(2):
      idx_wait(c)
      fill_wait(c)
      gather_start(c)

    stage(0, 0, False, True, True)
    stage(1, 1, False, True, True)
    stage(2, 2, True, True, True)
    stage(3, 3, True, True, True)

    @pl.loop(4, NCHUNK - 4, step=NBUF)
    def main_loop(i):
      for b in range(NBUF):
        stage(i + b, b, True, True, True)

    stage(NCHUNK - 4, 0, True, True, True)
    stage(NCHUNK - 3, 1, True, False, True)
    stage(NCHUNK - 2, 2, True, False, False)
    stage(NCHUNK - 1, 3, True, False, False)
    wb_wait(2)
    wb_wait(3)

  return emb_kernel


_emb_kernel = _make_kernel()


def kernel(x, word_table, pos_table):
  xf = x.reshape(NUM_ROWS).astype(jnp.int32)
  out = _emb_kernel(xf, word_table, pos_table)
  return out.reshape(BATCH, SEQ_LEN, EMBED_DIM)

# --- scband reference (transcript-rebuilt; emitter-appended) ---
"""Pipeline reference for scband-embeddings-63324997812786 (READ-ONLY COPY).

The authoritative reference and input builder live on the scoring server;
editing this copy changes nothing except your own understanding.
"""

import jax, jax.numpy as jnp
import numpy as np

VOCAB = 1000000
EMBED_DIM = 64
MAX_POS = 5000
BATCH = 4096
SEQ_LEN = 200

def setup_inputs(seed: int = 0) -> dict:
    key = jax.random.key(seed)
    k1, k2, k3 = jax.random.split(key, 3)
    x = jax.random.randint(k1, (BATCH, SEQ_LEN), 0, VOCAB)
    word_table = jax.random.normal(k2, (VOCAB, EMBED_DIM), dtype=jnp.float32) * 0.02
    pos_table = jax.random.normal(k3, (MAX_POS, EMBED_DIM), dtype=jnp.float32) * 0.02
    return {"x": x, "word_table": word_table, "pos_table": pos_table}

def reference(x, word_table, pos_table):
    # Faithful translation of Embeddings.forward (dropout is identity in eval mode)
    seq_len = x.shape[1]
    position_ids = jnp.arange(seq_len)
    word_embeddings = jnp.take(word_table, x, axis=0)          # [B, S, D] gather
    position_embeddings = jnp.take(pos_table, position_ids, axis=0)[None, :, :]  # [1, S, D]
    embeddings = word_embeddings + position_embeddings
    return embeddings

if __name__ == "__main__":
    import jax
    _d = setup_inputs()
    print(jax.jit(kernel)(*tuple(_d.values())))

</pallas_src>

<mosaic_0001>
#map = affine_map<(d0, d1) -> (0)>
#map1 = affine_map<(d0, d1) -> (0, 0)>
module attributes {stable_mosaic.version = 14 : i64} {
  func.func @emb_kernel(%arg0: i32, %arg1: i32, %arg2: memref<819200xi32, #tpu.memory_space<hbm>>, %arg3: memref<1000000x64xf32, #tpu.memory_space<hbm>>, %arg4: memref<5000x64xf32, #tpu.memory_space<hbm>>, %arg5: memref<819200x64xf32, #tpu.memory_space<hbm>>, %arg6: memref<4x400xi32, #tpu.memory_space<vmem>>, %arg7: memref<4x400x64xf32, #tpu.memory_space<vmem>>, %arg8: memref<400x64xf32, #tpu.memory_space<vmem_shared>>, %arg9: memref<!tpu.dma_semaphore, #tpu.memory_space<semaphore_mem>>, %arg10: memref<!tpu.dma_semaphore, #tpu.memory_space<semaphore_mem>>, %arg11: memref<!tpu.dma_semaphore, #tpu.memory_space<semaphore_mem>>, %arg12: memref<!tpu.dma_semaphore, #tpu.memory_space<semaphore_mem>>, %arg13: memref<!tpu.dma_semaphore, #tpu.memory_space<semaphore_mem>>, %arg14: memref<!tpu.dma_semaphore, #tpu.memory_space<semaphore_mem>>, %arg15: memref<!tpu.dma_semaphore, #tpu.memory_space<semaphore_mem>>, %arg16: memref<!tpu.dma_semaphore, #tpu.memory_space<semaphore_mem>>, %arg17: memref<!tpu.dma_semaphore, #tpu.memory_space<semaphore_mem>>, %arg18: memref<!tpu.dma_semaphore, #tpu.memory_space<semaphore_mem>>, %arg19: memref<!tpu.dma_semaphore, #tpu.memory_space<semaphore_mem>>, %arg20: memref<!tpu.dma_semaphore, #tpu.memory_space<semaphore_mem>>, %arg21: memref<!tpu.dma_semaphore, #tpu.memory_space<semaphore_mem>>, %arg22: memref<!tpu.dma_semaphore, #tpu.memory_space<semaphore_mem>>, %arg23: memref<!tpu.dma_semaphore, #tpu.memory_space<semaphore_mem>>, %arg24: memref<!tpu.dma_semaphore, #tpu.memory_space<semaphore_mem>>) attributes {dimension_semantics = [#tpu.dimension_semantics<core_parallel>, #tpu.dimension_semantics<subcore_parallel>], iteration_bounds = array<i64: 2, 16>, scalar_prefetch = 0 : i64, scratch_operands = 19 : i64, tpu.core_type = #tpu.core_type<sc_vector_subcore>, window_params = [{transform_indices = #map}, {transform_indices = #map1}, {transform_indices = #map1}, {transform_indices = #map1}]} {
    %mul3A = arith.constant 2 : i32
    %mul3A_0 = arith.muli %arg1, %mul3A : i32
    %add3A = arith.addi %mul3A_0, %arg0 : i32
    %mul3A_1 = arith.constant 25600 : i32
    %mul3A_2 = arith.muli %add3A, %mul3A_1 : i32
    %eq3A = arith.constant 0 : i32
    %eq3A_3 = arith.cmpi eq, %arg1, %eq3A : i32
    %convert_element_type3A = arith.extui %eq3A_3 : i1 to i32
    %cond3A = arith.constant 0 : i32
    %cond3A_4 = arith.cmpi ne, %convert_element_type3A, %cond3A : i32
    scf.if %cond3A_4 {
      "tpu.region"() ({
        %run_scoped3A = tpu.sem_alloc : memref<!tpu.dma_semaphore, #tpu.memory_space<semaphore_mem>>
        %dma_start3A_759 = arith.constant 0 : i32
        %dma_start3A_760 = arith.constant 0 : i32
        %dma_start3A_761 = tpu.memref_slice %arg8[%dma_start3A_759, %dma_start3A_760] : memref<400x64xf32, #tpu.memory_space<vmem_shared>> -> memref<200x64xf32, #tpu.memory_space<vmem_shared>>
        %dma_start3A_762 = arith.constant 0 : i32
        %dma_start3A_763 = arith.constant 0 : i32
        %dma_start3A_764 = tpu.memref_slice %arg4[%dma_start3A_762, %dma_start3A_763] : memref<5000x64xf32, #tpu.memory_space<hbm>> -> memref<200x64xf32, #tpu.memory_space<hbm>>
        tpu.enqueue_dma source(%dma_start3A_764 : memref<200x64xf32, #tpu.memory_space<hbm>>) target(%dma_start3A_761 : memref<200x64xf32, #tpu.memory_space<vmem_shared>>) target_semaphore(%run_scoped3A : memref<!tpu.dma_semaphore, #tpu.memory_space<semaphore_mem>>)
        %dma_wait3A_765 = arith.constant 0 : i32
        %dma_wait3A_766 = arith.constant 0 : i32
        %dma_wait3A_767 = tpu.memref_slice %arg8[%dma_wait3A_765, %dma_wait3A_766] : memref<400x64xf32, #tpu.memory_space<vmem_shared>> -> memref<200x64xf32, #tpu.memory_space<vmem_shared>>
        %dma_wait3A_768 = arith.constant 0 : i32
        %dma_wait3A_769 = arith.constant 0 : i32
        %dma_wait3A_770 = tpu.memref_slice %arg4[%dma_wait3A_768, %dma_wait3A_769] : memref<5000x64xf32, #tpu.memory_space<hbm>> -> memref<200x64xf32, #tpu.memory_space<hbm>>
        tpu.wait_dma2 semaphore(%run_scoped3A : memref<!tpu.dma_semaphore, #tpu.memory_space<semaphore_mem>>) src(%dma_wait3A_770 : memref<200x64xf32, #tpu.memory_space<hbm>>) dst(%dma_wait3A_767 : memref<200x64xf32, #tpu.memory_space<vmem_shared>>)
        tpu.yield
      }) : () -> ()
      "tpu.region"() ({
        %run_scoped3A = tpu.sem_alloc : memref<!tpu.dma_semaphore, #tpu.memory_space<semaphore_mem>>
        %dma_start3A_759 = arith.constant 200 : i32
        %dma_start3A_760 = arith.constant 0 : i32
        %dma_start3A_761 = tpu.memref_slice %arg8[%dma_start3A_759, %dma_start3A_760] : memref<400x64xf32, #tpu.memory_space<vmem_shared>> -> memref<200x64xf32, #tpu.memory_space<vmem_shared>>
        %dma_start3A_762 = arith.constant 0 : i32
        %dma_start3A_763 = arith.constant 0 : i32
        %dma_start3A_764 = tpu.memref_slice %arg4[%dma_start3A_762, %dma_start3A_763] : memref<5000x64xf32, #tpu.memory_space<hbm>> -> memref<200x64xf32, #tpu.memory_space<hbm>>
        tpu.enqueue_dma source(%dma_start3A_764 : memref<200x64xf32, #tpu.memory_space<hbm>>) target(%dma_start3A_761 : memref<200x64xf32, #tpu.memory_space<vmem_shared>>) target_semaphore(%run_scoped3A : memref<!tpu.dma_semaphore, #tpu.memory_space<semaphore_mem>>)
        %dma_wait3A_765 = arith.constant 200 : i32
        %dma_wait3A_766 = arith.constant 0 : i32
        %dma_wait3A_767 = tpu.memref_slice %arg8[%dma_wait3A_765, %dma_wait3A_766] : memref<400x64xf32, #tpu.memory_space<vmem_shared>> -> memref<200x64xf32, #tpu.memory_space<vmem_shared>>
        %dma_wait3A_768 = arith.constant 0 : i32
        %dma_wait3A_769 = arith.constant 0 : i32
        %dma_wait3A_770 = tpu.memref_slice %arg4[%dma_wait3A_768, %dma_wait3A_769] : memref<5000x64xf32, #tpu.memory_space<hbm>> -> memref<200x64xf32, #tpu.memory_space<hbm>>
        tpu.wait_dma2 semaphore(%run_scoped3A : memref<!tpu.dma_semaphore, #tpu.memory_space<semaphore_mem>>) src(%dma_wait3A_770 : memref<200x64xf32, #tpu.memory_space<hbm>>) dst(%dma_wait3A_767 : memref<200x64xf32, #tpu.memory_space<vmem_shared>>)
        tpu.yield
      }) : () -> ()
    } else {
    }
    %barrier3A = arith.constant 0 : index
    tpu.barrier barrier_id(%barrier3A)
    %add3A_5 = arith.constant 0 : i32
    %add3A_6 = arith.addi %mul3A_2, %add3A_5 : i32
    %dma_start3A = arith.constant 0 : i32
    %dma_start3A_7 = arith.constant 0 : i32
    %dma_start3A_8 = tpu.memref_slice %arg6[%dma_start3A, %dma_start3A_7] : memref<4x400xi32, #tpu.memory_space<vmem>> -> memref<1x400xi32, #tpu.memory_space<vmem>>
    %dma_start3A_9 = tpu.memref_squeeze %dma_start3A_8 : memref<1x400xi32, #tpu.memory_space<vmem>> -> memref<400xi32, #tpu.memory_space<vmem>>
    %dma_start3A_10 = tpu.memref_slice %arg2[%add3A_6] : memref<819200xi32, #tpu.memory_space<hbm>> -> memref<400xi32, #tpu.memory_space<hbm>>
    %dma_start3A_11 = arith.constant 0 : i32
    %dma_start3A_12 = tpu.memref_slice %arg6[%dma_start3A, %dma_start3A_11] : memref<4x400xi32, #tpu.memory_space<vmem>> -> memref<1x400xi32, #tpu.memory_space<vmem>>
    %dma_start3A_13 = tpu.memref_squeeze %dma_start3A_12 : memref<1x400xi32, #tpu.memory_space<vmem>> -> memref<400xi32, #tpu.memory_space<vmem>>
    %dma_start3A_14 = tpu.memref_slice %arg2[%add3A_6] : memref<819200xi32, #tpu.memory_space<hbm>> -> memref<400xi32, #tpu.memory_space<hbm>>
    tpu.enqueue_dma source(%dma_start3A_14 : memref<400xi32, #tpu.memory_space<hbm>>) target(%dma_start3A_13 : memref<400xi32, #tpu.memory_space<vmem>>) target_semaphore(%arg9 : memref<!tpu.dma_semaphore, #tpu.memory_space<semaphore_mem>>)
    %add3A_15 = arith.constant 400 : i32
    %add3A_16 = arith.addi %mul3A_2, %add3A_15 : i32
    %dma_start3A_17 = arith.constant 1 : i32
    %dma_start3A_18 = arith.constant 0 : i32
    %dma_start3A_19 = tpu.memref_slice %arg6[%dma_start3A_17, %dma_start3A_18] : memref<4x400xi32, #tpu.memory_space<vmem>> -> memref<1x400xi32, #tpu.memory_space<vmem>>
    %dma_start3A_20 = tpu.memref_squeeze %dma_start3A_19 : memref<1x400xi32, #tpu.memory_space<vmem>> -> memref<400xi32, #tpu.memory_space<vmem>>
    %dma_start3A_21 = tpu.memref_slice %arg2[%add3A_16] : memref<819200xi32, #tpu.memory_space<hbm>> -> memref<400xi32, #tpu.memory_space<hbm>>
    %dma_start3A_22 = arith.constant 0 : i32
    %dma_start3A_23 = tpu.memref_slice %arg6[%dma_start3A_17, %dma_start3A_22] : memref<4x400xi32, #tpu.memory_space<vmem>> -> memref<1x400xi32, #tpu.memory_space<vmem>>
    %dma_start3A_24 = tpu.memref_squeeze %dma_start3A_23 : memref<1x400xi32, #tpu.memory_space<vmem>> -> memref<400xi32, #tpu.memory_space<vmem>>
    %dma_start3A_25 = tpu.memref_slice %arg2[%add3A_16] : memref<819200xi32, #tpu.memory_space<hbm>> -> memref<400xi32, #tpu.memory_space<hbm>>
    tpu.enqueue_dma source(%dma_start3A_25 : memref<400xi32, #tpu.memory_space<hbm>>) target(%dma_start3A_24 : memref<400xi32, #tpu.memory_space<vmem>>) target_semaphore(%arg10 : memref<!tpu.dma_semaphore, #tpu.memory_space<semaphore_mem>>)
    %add3A_26 = arith.constant 800 : i32
    %add3A_27 = arith.addi %mul3A_2, %add3A_26 : i32
    %dma_start3A_28 = arith.constant 2 : i32
    %dma_start3A_29 = arith.constant 0 : i32
    %dma_start3A_30 = tpu.memref_slice %arg6[%dma_start3A_28, %dma_start3A_29] : memref<4x400xi32, #tpu.memory_space<vmem>> -> memref<1x400xi32, #tpu.memory_space<vmem>>
    %dma_start3A_31 = tpu.memref_squeeze %dma_start3A_30 : memref<1x400xi32, #tpu.memory_space<vmem>> -> memref<400xi32, #tpu.memory_space<vmem>>
    %dma_start3A_32 = tpu.memref_slice %arg2[%add3A_27] : memref<819200xi32, #tpu.memory_space<hbm>> -> memref<400xi32, #tpu.memory_space<hbm>>
    %dma_start3A_33 = arith.constant 0 : i32
    %dma_start3A_34 = tpu.memref_slice %arg6[%dma_start3A_28, %dma_start3A_33] : memref<4x400xi32, #tpu.memory_space<vmem>> -> memref<1x400xi32, #tpu.memory_space<vmem>>
    %dma_start3A_35 = tpu.memref_squeeze %dma_start3A_34 : memref<1x400xi32, #tpu.memory_space<vmem>> -> memref<400xi32, #tpu.memory_space<vmem>>
    %dma_start3A_36 = tpu.memref_slice %arg2[%add3A_27] : memref<819200xi32, #tpu.memory_space<hbm>> -> memref<400xi32, #tpu.memory_space<hbm>>
    tpu.enqueue_dma source(%dma_start3A_36 : memref<400xi32, #tpu.memory_space<hbm>>) target(%dma_start3A_35 : memref<400xi32, #tpu.memory_space<vmem>>) target_semaphore(%arg11 : memref<!tpu.dma_semaphore, #tpu.memory_space<semaphore_mem>>)
    %dma_start3A_37 = arith.constant 0 : i32
    %dma_start3A_38 = arith.constant 0 : i32
    %dma_start3A_39 = arith.constant 0 : i32
    %dma_start3A_40 = tpu.memref_slice %arg7[%dma_start3A_37, %dma_start3A_38, %dma_start3A_39] : memref<4x400x64xf32, #tpu.memory_space<vmem>> -> memref<1x400x64xf32, #tpu.memory_space<vmem>>
    %dma_start3A_41 = tpu.memref_squeeze %dma_start3A_40 : memref<1x400x64xf32, #tpu.memory_space<vmem>> -> memref<400x64xf32, #tpu.memory_space<vmem>>
    %dma_start3A_42 = arith.constant 0 : i32
    %dma_start3A_43 = arith.constant 0 : i32
    %dma_start3A_44 = tpu.memref_slice %arg7[%dma_start3A_37, %dma_start3A_42, %dma_start3A_43] : memref<4x400x64xf32, #tpu.memory_space<vmem>> -> memref<1x400x64xf32, #tpu.memory_space<vmem>>
    %dma_start3A_45 = tpu.memref_squeeze %dma_start3A_44 : memref<1x400x64xf32, #tpu.memory_space<vmem>> -> memref<400x64xf32, #tpu.memory_space<vmem>>
    tpu.enqueue_dma source(%arg8 : memref<400x64xf32, #tpu.memory_space<vmem_shared>>) target(%dma_start3A_45 : memref<400x64xf32, #tpu.memory_space<vmem>>) target_semaphore(%arg13 : memref<!tpu.dma_semaphore, #tpu.memory_space<semaphore_mem>>)
    %dma_start3A_46 = arith.constant 1 : i32
    %dma_start3A_47 = arith.constant 0 : i32
    %dma_start3A_48 = arith.constant 0 : i32
    %dma_start3A_49 = tpu.memref_slice %arg7[%dma_start3A_46, %dma_start3A_47, %dma_start3A_48] : memref<4x400x64xf32, #tpu.memory_space<vmem>> -> memref<1x400x64xf32, #tpu.memory_space<vmem>>
    %dma_start3A_50 = tpu.memref_squeeze %dma_start3A_49 : memref<1x400x64xf32, #tpu.memory_space<vmem>> -> memref<400x64xf32, #tpu.memory_space<vmem>>
    %dma_start3A_51 = arith.constant 0 : i32
    %dma_start3A_52 = arith.constant 0 : i32
    %dma_start3A_53 = tpu.memref_slice %arg7[%dma_start3A_46, %dma_start3A_51, %dma_start3A_52] : memref<4x400x64xf32, #tpu.memory_space<vmem>> -> memref<1x400x64xf32, #tpu.memory_space<vmem>>
    %dma_start3A_54 = tpu.memref_squeeze %dma_start3A_53 : memref<1x400x64xf32, #tpu.memory_space<vmem>> -> memref<400x64xf32, #tpu.memory_space<vmem>>
    tpu.enqueue_dma source(%arg8 : memref<400x64xf32, #tpu.memory_space<vmem_shared>>) target(%dma_start3A_54 : memref<400x64xf32, #tpu.memory_space<vmem>>) target_semaphore(%arg14 : memref<!tpu.dma_semaphore, #tpu.memory_space<semaphore_mem>>)
    %dma_wait3A = arith.constant 0 : i32
    %dma_wait3A_55 = arith.constant 0 : i32
    %dma_wait3A_56 = tpu.memref_slice %arg6[%dma_wait3A, %dma_wait3A_55] : memref<4x400xi32, #tpu.memory_space<vmem>> -> memref<1x400xi32, #tpu.memory_space<vmem>>
    %dma_wait3A_57 = tpu.memref_squeeze %dma_wait3A_56 : memref<1x400xi32, #tpu.memory_space<vmem>> -> memref<400xi32, #tpu.memory_space<vmem>>
    %dma_wait3A_58 = arith.constant 0 : i32
    %dma_wait3A_59 = tpu.memref_slice %arg2[%dma_wait3A_58] : memref<819200xi32, #tpu.memory_space<hbm>> -> memref<400xi32, #tpu.memory_space<hbm>>
    %dma_wait3A_60 = arith.constant 0 : i32
    %dma_wait3A_61 = tpu.memref_slice %arg6[%dma_wait3A, %dma_wait3A_60] : memref<4x400xi32, #tpu.memory_space<vmem>> -> memref<1x400xi32, #tpu.memory_space<vmem>>
    %dma_wait3A_62 = tpu.memref_squeeze %dma_wait3A_61 : memref<1x400xi32, #tpu.memory_space<vmem>> -> memref<400xi32, #tpu.memory_space<vmem>>
    %dma_wait3A_63 = arith.constant 0 : i32
    %dma_wait3A_64 = tpu.memref_slice %arg2[%dma_wait3A_63] : memref<819200xi32, #tpu.memory_space<hbm>> -> memref<400xi32, #tpu.memory_space<hbm>>
    tpu.wait_dma2 semaphore(%arg9 : memref<!tpu.dma_semaphore, #tpu.memory_space<semaphore_mem>>) src(%dma_wait3A_64 : memref<400xi32, #tpu.memory_space<hbm>>) dst(%dma_wait3A_62 : memref<400xi32, #tpu.memory_space<vmem>>)
    %dma_wait3A_65 = arith.constant 0 : i32
    %dma_wait3A_66 = arith.constant 0 : i32
    %dma_wait3A_67 = arith.constant 0 : i32
    %dma_wait3A_68 = tpu.memref_slice %arg7[%dma_wait3A_65, %dma_wait3A_66, %dma_wait3A_67] : memref<4x400x64xf32, #tpu.memory_space<vmem>> -> memref<1x400x64xf32, #tpu.memory_space<vmem>>
    %dma_wait3A_69 = tpu.memref_squeeze %dma_wait3A_68 : memref<1x400x64xf32, #tpu.memory_space<vmem>> -> memref<400x64xf32, #tpu.memory_space<vmem>>
    %dma_wait3A_70 = arith.constant 0 : i32
    %dma_wait3A_71 = arith.constant 0 : i32
    %dma_wait3A_72 = tpu.memref_slice %arg7[%dma_wait3A_65, %dma_wait3A_70, %dma_wait3A_71] : memref<4x400x64xf32, #tpu.memory_space<vmem>> -> memref<1x400x64xf32, #tpu.memory_space<vmem>>
    %dma_wait3A_73 = tpu.memref_squeeze %dma_wait3A_72 : memref<1x400x64xf32, #tpu.memory_space<vmem>> -> memref<400x64xf32, #tpu.memory_space<vmem>>
    tpu.wait_dma2 semaphore(%arg13 : memref<!tpu.dma_semaphore, #tpu.memory_space<semaphore_mem>>) src(%arg8 : memref<400x64xf32, #tpu.memory_space<vmem_shared>>) dst(%dma_wait3A_73 : memref<400x64xf32, #tpu.memory_space<vmem>>)
    %dma_start3A_74 = arith.constant 0 : i32
    %dma_start3A_75 = arith.constant 0 : i32
    %dma_start3A_76 = arith.constant 0 : i32
    %dma_start3A_77 = arith.constant 0 : i32
    %dma_start3A_78 = tpu.memref_slice %arg7[%dma_start3A_75, %dma_start3A_76, %dma_start3A_77] : memref<4x400x64xf32, #tpu.memory_space<vmem>> -> memref<1x400x64xf32, #tpu.memory_space<vmem>>
    %dma_start3A_79 = tpu.memref_squeeze %dma_start3A_78 : memref<1x400x64xf32, #tpu.memory_space<vmem>> -> memref<400x64xf32, #tpu.memory_space<vmem>>
    %dma_start3A_80 = arith.constant 0 : i32
    %dma_start3A_81 = tpu.memref_slice %arg6[%dma_start3A_74, %dma_start3A_80] : memref<4x400xi32, #tpu.memory_space<vmem>> -> memref<1x400xi32, #tpu.memory_space<vmem>>
    %dma_start3A_82 = tpu.memref_squeeze %dma_start3A_81 : memref<1x400xi32, #tpu.memory_space<vmem>> -> memref<400xi32, #tpu.memory_space<vmem>>
    %dma_start3A_83 = arith.constant 0 : i32
    %dma_start3A_84 = arith.constant 0 : i32
    %dma_start3A_85 = tpu.memref_slice %arg3[%dma_start3A_83, %dma_start3A_84] : memref<1000000x64xf32, #tpu.memory_space<hbm>> -> memref<1000000x64xf32, #tpu.memory_space<hbm>>
    tpu.enqueue_indirect_dma source(%dma_start3A_85 : memref<1000000x64xf32, #tpu.memory_space<hbm>>) target(%dma_start3A_79 : memref<400x64xf32, #tpu.memory_space<vmem>>) offsets(%dma_start3A_82 : memref<400xi32, #tpu.memory_space<vmem>>) semaphore(%arg17 : memref<!tpu.dma_semaphore, #tpu.memory_space<semaphore_mem>>) {add = true}
    %dma_wait3A_86 = arith.constant 1 : i32
    %dma_wait3A_87 = arith.constant 0 : i32
    %dma_wait3A_88 = tpu.memref_slice %arg6[%dma_wait3A_86, %dma_wait3A_87] : memref<4x400xi32, #tpu.memory_space<vmem>> -> memref<1x400xi32, #tpu.memory_space<vmem>>
    %dma_wait3A_89 = tpu.memref_squeeze %dma_wait3A_88 : memref<1x400xi32, #tpu.memory_space<vmem>> -> memref<400xi32, #tpu.memory_space<vmem>>
    %dma_wait3A_90 = arith.constant 0 : i32
    %dma_wait3A_91 = tpu.memref_slice %arg2[%dma_wait3A_90] : memref<819200xi32, #tpu.memory_space<hbm>> -> memref<400xi32, #tpu.memory_space<hbm>>
    %dma_wait3A_92 = arith.constant 0 : i32
    %dma_wait3A_93 = tpu.memref_slice %arg6[%dma_wait3A_86, %dma_wait3A_92] : memref<4x400xi32, #tpu.memory_space<vmem>> -> memref<1x400xi32, #tpu.memory_space<vmem>>
    %dma_wait3A_94 = tpu.memref_squeeze %dma_wait3A_93 : memref<1x400xi32, #tpu.memory_space<vmem>> -> memref<400xi32, #tpu.memory_space<vmem>>
    %dma_wait3A_95 = arith.constant 0 : i32
    %dma_wait3A_96 = tpu.memref_slice %arg2[%dma_wait3A_95] : memref<819200xi32, #tpu.memory_space<hbm>> -> memref<400xi32, #tpu.memory_space<hbm>>
    tpu.wait_dma2 semaphore(%arg10 : memref<!tpu.dma_semaphore, #tpu.memory_space<semaphore_mem>>) src(%dma_wait3A_96 : memref<400xi32, #tpu.memory_space<hbm>>) dst(%dma_wait3A_94 : memref<400xi32, #tpu.memory_space<vmem>>)
    %dma_wait3A_97 = arith.constant 1 : i32
    %dma_wait3A_98 = arith.constant 0 : i32
    %dma_wait3A_99 = arith.constant 0 : i32
    %dma_wait3A_100 = tpu.memref_slice %arg7[%dma_wait3A_97, %dma_wait3A_98, %dma_wait3A_99] : memref<4x400x64xf32, #tpu.memory_space<vmem>> -> memref<1x400x64xf32, #tpu.memory_space<vmem>>
    %dma_wait3A_101 = tpu.memref_squeeze %dma_wait3A_100 : memref<1x400x64xf32, #tpu.memory_space<vmem>> -> memref<400x64xf32, #tpu.memory_space<vmem>>
    %dma_wait3A_102 = arith.constant 0 : i32
    %dma_wait3A_103 = arith.constant 0 : i32
    %dma_wait3A_104 = tpu.memref_slice %arg7[%dma_wait3A_97, %dma_wait3A_102, %dma_wait3A_103] : memref<4x400x64xf32, #tpu.memory_space<vmem>> -> memref<1x400x64xf32, #tpu.memory_space<vmem>>
    %dma_wait3A_105 = tpu.memref_squeeze %dma_wait3A_104 : memref<1x400x64xf32, #tpu.memory_space<vmem>> -> memref<400x64xf32, #tpu.memory_space<vmem>>
    tpu.wait_dma2 semaphore(%arg14 : memref<!tpu.dma_semaphore, #tpu.memory_space<semaphore_mem>>) src(%arg8 : memref<400x64xf32, #tpu.memory_space<vmem_shared>>) dst(%dma_wait3A_105 : memref<400x64xf32, #tpu.memory_space<vmem>>)
    %dma_start3A_106 = arith.constant 1 : i32
    %dma_start3A_107 = arith.constant 1 : i32
    %dma_start3A_108 = arith.constant 0 : i32
    %dma_start3A_109 = arith.constant 0 : i32
    %dma_start3A_110 = tpu.memref_slice %arg7[%dma_start3A_107, %dma_start3A_108, %dma_start3A_109] : memref<4x400x64xf32, #tpu.memory_space<vmem>> -> memref<1x400x64xf32, #tpu.memory_space<vmem>>
    %dma_start3A_111 = tpu.memref_squeeze %dma_start3A_110 : memref<1x400x64xf32, #tpu.memory_space<vmem>> -> memref<400x64xf32, #tpu.memory_space<vmem>>
    %dma_start3A_112 = arith.constant 0 : i32
    %dma_start3A_113 = tpu.memref_slice %arg6[%dma_start3A_106, %dma_start3A_112] : memref<4x400xi32, #tpu.memory_space<vmem>> -> memref<1x400xi32, #tpu.memory_space<vmem>>
    %dma_start3A_114 = tpu.memref_squeeze %dma_start3A_113 : memref<1x400xi32, #tpu.memory_space<vmem>> -> memref<400xi32, #tpu.memory_space<vmem>>
    %dma_start3A_115 = arith.constant 0 : i32
    %dma_start3A_116 = arith.constant 0 : i32
    %dma_start3A_117 = tpu.memref_slice %arg3[%dma_start3A_115, %dma_start3A_116] : memref<1000000x64xf32, #tpu.memory_space<hbm>> -> memref<1000000x64xf32, #tpu.memory_space<hbm>>
    tpu.enqueue_indirect_dma source(%dma_start3A_117 : memref<1000000x64xf32, #tpu.memory_space<hbm>>) target(%dma_start3A_111 : memref<400x64xf32, #tpu.memory_space<vmem>>) offsets(%dma_start3A_114 : memref<400xi32, #tpu.memory_space<vmem>>) semaphore(%arg18 : memref<!tpu.dma_semaphore, #tpu.memory_space<semaphore_mem>>) {add = true}
    %dma_start3A_118 = arith.constant 2 : i32
    %dma_start3A_119 = arith.constant 0 : i32
    %dma_start3A_120 = arith.constant 0 : i32
    %dma_start3A_121 = tpu.memref_slice %arg7[%dma_start3A_118, %dma_start3A_119, %dma_start3A_120] : memref<4x400x64xf32, #tpu.memory_space<vmem>> -> memref<1x400x64xf32, #tpu.memory_space<vmem>>
    %dma_start3A_122 = tpu.memref_squeeze %dma_start3A_121 : memref<1x400x64xf32, #tpu.memory_space<vmem>> -> memref<400x64xf32, #tpu.memory_space<vmem>>
    %dma_start3A_123 = arith.constant 0 : i32
    %dma_start3A_124 = arith.constant 0 : i32
    %dma_start3A_125 = tpu.memref_slice %arg7[%dma_start3A_118, %dma_start3A_123, %dma_start3A_124] : memref<4x400x64xf32, #tpu.memory_space<vmem>> -> memref<1x400x64xf32, #tpu.memory_space<vmem>>
    %dma_start3A_126 = tpu.memref_squeeze %dma_start3A_125 : memref<1x400x64xf32, #tpu.memory_space<vmem>> -> memref<400x64xf32, #tpu.memory_space<vmem>>
    tpu.enqueue_dma source(%arg8 : memref<400x64xf32, #tpu.memory_space<vmem_shared>>) target(%dma_start3A_126 : memref<400x64xf32, #tpu.memory_space<vmem>>) target_semaphore(%arg15 : memref<!tpu.dma_semaphore, #tpu.memory_space<semaphore_mem>>)
    %add3A_127 = arith.constant 1200 : i32
    %add3A_128 = arith.addi %mul3A_2, %add3A_127 : i32
    %dma_start3A_129 = arith.constant 3 : i32
    %dma_start3A_130 = arith.constant 0 : i32
    %dma_start3A_131 = tpu.memref_slice %arg6[%dma_start3A_129, %dma_start3A_130] : memref<4x400xi32, #tpu.memory_space<vmem>> -> memref<1x400xi32, #tpu.memory_space<vmem>>
    %dma_start3A_132 = tpu.memref_squeeze %dma_start3A_131 : memref<1x400xi32, #tpu.memory_space<vmem>> -> memref<400xi32, #tpu.memory_space<vmem>>
    %dma_start3A_133 = tpu.memref_slice %arg2[%add3A_128] : memref<819200xi32, #tpu.memory_space<hbm>> -> memref<400xi32, #tpu.memory_space<hbm>>
    %dma_start3A_134 = arith.constant 0 : i32
    %dma_start3A_135 = tpu.memref_slice %arg6[%dma_start3A_129, %dma_start3A_134] : memref<4x400xi32, #tpu.memory_space<vmem>> -> memref<1x400xi32, #tpu.memory_space<vmem>>
    %dma_start3A_136 = tpu.memref_squeeze %dma_start3A_135 : memref<1x400xi32, #tpu.memory_space<vmem>> -> memref<400xi32, #tpu.memory_space<vmem>>
    %dma_start3A_137 = tpu.memref_slice %arg2[%add3A_128] : memref<819200xi32, #tpu.memory_space<hbm>> -> memref<400xi32, #tpu.memory_space<hbm>>
    tpu.enqueue_dma source(%dma_start3A_137 : memref<400xi32, #tpu.memory_space<hbm>>) target(%dma_start3A_136 : memref<400xi32, #tpu.memory_space<vmem>>) target_semaphore(%arg12 : memref<!tpu.dma_semaphore, #tpu.memory_space<semaphore_mem>>)
    %dma_wait3A_138 = arith.constant 2 : i32
    %dma_wait3A_139 = arith.constant 0 : i32
    %dma_wait3A_140 = tpu.memref_slice %arg6[%dma_wait3A_138, %dma_wait3A_139] : memref<4x400xi32, #tpu.memory_space<vmem>> -> memref<1x400xi32, #tpu.memory_space<vmem>>
    %dma_wait3A_141 = tpu.memref_squeeze %dma_wait3A_140 : memref<1x400xi32, #tpu.memory_space<vmem>> -> memref<400xi32, #tpu.memory_space<vmem>>
    %dma_wait3A_142 = arith.constant 0 : i32
    %dma_wait3A_143 = tpu.memref_slice %arg2[%dma_wait3A_142] : memref<819200xi32, #tpu.memory_space<hbm>> -> memref<400xi32, #tpu.memory_space<hbm>>
    %dma_wait3A_144 = arith.constant 0 : i32
    %dma_wait3A_145 = tpu.memref_slice %arg6[%dma_wait3A_138, %dma_wait3A_144] : memref<4x400xi32, #tpu.memory_space<vmem>> -> memref<1x400xi32, #tpu.memory_space<vmem>>
    %dma_wait3A_146 = tpu.memref_squeeze %dma_wait3A_145 : memref<1x400xi32, #tpu.memory_space<vmem>> -> memref<400xi32, #tpu.memory_space<vmem>>
    %dma_wait3A_147 = arith.constant 0 : i32
    %dma_wait3A_148 = tpu.memref_slice %arg2[%dma_wait3A_147] : memref<819200xi32, #tpu.memory_space<hbm>> -> memref<400xi32, #tpu.memory_space<hbm>>
    tpu.wait_dma2 semaphore(%arg11 : memref<!tpu.dma_semaphore, #tpu.memory_space<semaphore_mem>>) src(%dma_wait3A_148 : memref<400xi32, #tpu.memory_space<hbm>>) dst(%dma_wait3A_146 : memref<400xi32, #tpu.memory_space<vmem>>)
    %dma_wait3A_149 = arith.constant 2 : i32
    %dma_wait3A_150 = arith.constant 0 : i32
    %dma_wait3A_151 = arith.constant 0 : i32
    %dma_wait3A_152 = tpu.memref_slice %arg7[%dma_wait3A_149, %dma_wait3A_150, %dma_wait3A_151] : memref<4x400x64xf32, #tpu.memory_space<vmem>> -> memref<1x400x64xf32, #tpu.memory_space<vmem>>
    %dma_wait3A_153 = tpu.memref_squeeze %dma_wait3A_152 : memref<1x400x64xf32, #tpu.memory_space<vmem>> -> memref<400x64xf32, #tpu.memory_space<vmem>>
    %dma_wait3A_154 = arith.constant 0 : i32
    %dma_wait3A_155 = arith.constant 0 : i32
    %dma_wait3A_156 = tpu.memref_slice %arg7[%dma_wait3A_149, %dma_wait3A_154, %dma_wait3A_155] : memref<4x400x64xf32, #tpu.memory_space<vmem>> -> memref<1x400x64xf32, #tpu.memory_space<vmem>>
    %dma_wait3A_157 = tpu.memref_squeeze %dma_wait3A_156 : memref<1x400x64xf32, #tpu.memory_space<vmem>> -> memref<400x64xf32, #tpu.memory_space<vmem>>
    tpu.wait_dma2 semaphore(%arg15 : memref<!tpu.dma_semaphore, #tpu.memory_space<semaphore_mem>>) src(%arg8 : memref<400x64xf32, #tpu.memory_space<vmem_shared>>) dst(%dma_wait3A_157 : memref<400x64xf32, #tpu.memory_space<vmem>>)
    %dma_start3A_158 = arith.constant 2 : i32
    %dma_start3A_159 = arith.constant 2 : i32
    %dma_start3A_160 = arith.constant 0 : i32
    %dma_start3A_161 = arith.constant 0 : i32
    %dma_start3A_162 = tpu.memref_slice %arg7[%dma_start3A_159, %dma_start3A_160, %dma_start3A_161] : memref<4x400x64xf32, #tpu.memory_space<vmem>> -> memref<1x400x64xf32, #tpu.memory_space<vmem>>
    %dma_start3A_163 = tpu.memref_squeeze %dma_start3A_162 : memref<1x400x64xf32, #tpu.memory_space<vmem>> -> memref<400x64xf32, #tpu.memory_space<vmem>>
    %dma_start3A_164 = arith.constant 0 : i32
    %dma_start3A_165 = tpu.memref_slice %arg6[%dma_start3A_158, %dma_start3A_164] : memref<4x400xi32, #tpu.memory_space<vmem>> -> memref<1x400xi32, #tpu.memory_space<vmem>>
    %dma_start3A_166 = tpu.memref_squeeze %dma_start3A_165 : memref<1x400xi32, #tpu.memory_space<vmem>> -> memref<400xi32, #tpu.memory_space<vmem>>
    %dma_start3A_167 = arith.constant 0 : i32
    %dma_start3A_168 = arith.constant 0 : i32
    %dma_start3A_169 = tpu.memref_slice %arg3[%dma_start3A_167, %dma_start3A_168] : memref<1000000x64xf32, #tpu.memory_space<hbm>> -> memref<1000000x64xf32, #tpu.memory_space<hbm>>
    tpu.enqueue_indirect_dma source(%dma_start3A_169 : memref<1000000x64xf32, #tpu.memory_space<hbm>>) target(%dma_start3A_163 : memref<400x64xf32, #tpu.memory_space<vmem>>) offsets(%dma_start3A_166 : memref<400xi32, #tpu.memory_space<vmem>>) semaphore(%arg19 : memref<!tpu.dma_semaphore, #tpu.memory_space<semaphore_mem>>) {add = true}
    %dma_wait3A_170 = arith.constant 0 : i32
    %dma_wait3A_171 = arith.constant 0 : i32
    %dma_wait3A_172 = arith.constant 0 : i32
    %dma_wait3A_173 = arith.constant 0 : i32
    %dma_wait3A_174 = tpu.memref_slice %arg7[%dma_wait3A_171, %dma_wait3A_172, %dma_wait3A_173] : memref<4x400x64xf32, #tpu.memory_space<vmem>> -> memref<1x400x64xf32, #tpu.memory_space<vmem>>
    %dma_wait3A_175 = tpu.memref_squeeze %dma_wait3A_174 : memref<1x400x64xf32, #tpu.memory_space<vmem>> -> memref<400x64xf32, #tpu.memory_space<vmem>>
    %dma_wait3A_176 = arith.constant 0 : i32
    %dma_wait3A_177 = tpu.memref_slice %arg6[%dma_wait3A_170, %dma_wait3A_176] : memref<4x400xi32, #tpu.memory_space<vmem>> -> memref<1x400xi32, #tpu.memory_space<vmem>>
    %dma_wait3A_178 = tpu.memref_squeeze %dma_wait3A_177 : memref<1x400xi32, #tpu.memory_space<vmem>> -> memref<400xi32, #tpu.memory_space<vmem>>
    %dma_wait3A_179 = arith.constant 0 : i32
    %dma_wait3A_180 = arith.constant 0 : i32
    %dma_wait3A_181 = tpu.memref_slice %arg3[%dma_wait3A_179, %dma_wait3A_180] : memref<1000000x64xf32, #tpu.memory_space<hbm>> -> memref<1000000x64xf32, #tpu.memory_space<hbm>>
    tpu.wait_indirect_dma semaphore(%arg17 : memref<!tpu.dma_semaphore, #tpu.memory_space<semaphore_mem>>) src(%dma_wait3A_181 : memref<1000000x64xf32, #tpu.memory_space<hbm>>) dst(%dma_wait3A_175 : memref<400x64xf32, #tpu.memory_space<vmem>>)
    %add3A_182 = arith.constant 0 : i32
    %add3A_183 = arith.addi %mul3A_2, %add3A_182 : i32
    %dma_start3A_184 = arith.constant 0 : i32
    %dma_start3A_185 = arith.constant 0 : i32
    %dma_start3A_186 = arith.constant 0 : i32
    %dma_start3A_187 = tpu.memref_slice %arg7[%dma_start3A_184, %dma_start3A_185, %dma_start3A_186] : memref<4x400x64xf32, #tpu.memory_space<vmem>> -> memref<1x400x64xf32, #tpu.memory_space<vmem>>
    %dma_start3A_188 = tpu.memref_squeeze %dma_start3A_187 : memref<1x400x64xf32, #tpu.memory_space<vmem>> -> memref<400x64xf32, #tpu.memory_space<vmem>>
    %dma_start3A_189 = arith.constant 0 : i32
    %dma_start3A_190 = tpu.memref_slice %arg5[%add3A_183, %dma_start3A_189] : memref<819200x64xf32, #tpu.memory_space<hbm>> -> memref<400x64xf32, #tpu.memory_space<hbm>>
    %dma_start3A_191 = arith.constant 0 : i32
    %dma_start3A_192 = tpu.memref_slice %arg5[%add3A_183, %dma_start3A_191] : memref<819200x64xf32, #tpu.memory_space<hbm>> -> memref<400x64xf32, #tpu.memory_space<hbm>>
    %dma_start3A_193 = arith.constant 0 : i32
    %dma_start3A_194 = arith.constant 0 : i32
    %dma_start3A_195 = tpu.memref_slice %arg7[%dma_start3A_184, %dma_start3A_193, %dma_start3A_194] : memref<4x400x64xf32, #tpu.memory_space<vmem>> -> memref<1x400x64xf32, #tpu.memory_space<vmem>>
    %dma_start3A_196 = tpu.memref_squeeze %dma_start3A_195 : memref<1x400x64xf32, #tpu.memory_space<vmem>> -> memref<400x64xf32, #tpu.memory_space<vmem>>
    tpu.enqueue_dma source(%dma_start3A_196 : memref<400x64xf32, #tpu.memory_space<vmem>>) target(%dma_start3A_192 : memref<400x64xf32, #tpu.memory_space<hbm>>) target_semaphore(%arg21 : memref<!tpu.dma_semaphore, #tpu.memory_space<semaphore_mem>>)
    %dma_start3A_197 = arith.constant 3 : i32
    %dma_start3A_198 = arith.constant 0 : i32
    %dma_start3A_199 = arith.constant 0 : i32
    %dma_start3A_200 = tpu.memref_slice %arg7[%dma_start3A_197, %dma_start3A_198, %dma_start3A_199] : memref<4x400x64xf32, #tpu.memory_space<vmem>> -> memref<1x400x64xf32, #tpu.memory_space<vmem>>
    %dma_start3A_201 = tpu.memref_squeeze %dma_start3A_200 : memref<1x400x64xf32, #tpu.memory_space<vmem>> -> memref<400x64xf32, #tpu.memory_space<vmem>>
    %dma_start3A_202 = arith.constant 0 : i32
    %dma_start3A_203 = arith.constant 0 : i32
    %dma_start3A_204 = tpu.memref_slice %arg7[%dma_start3A_197, %dma_start3A_202, %dma_start3A_203] : memref<4x400x64xf32, #tpu.memory_space<vmem>> -> memref<1x400x64xf32, #tpu.memory_space<vmem>>
    %dma_start3A_205 = tpu.memref_squeeze %dma_start3A_204 : memref<1x400x64xf32, #tpu.memory_space<vmem>> -> memref<400x64xf32, #tpu.memory_space<vmem>>
    tpu.enqueue_dma source(%arg8 : memref<400x64xf32, #tpu.memory_space<vmem_shared>>) target(%dma_start3A_205 : memref<400x64xf32, #tpu.memory_space<vmem>>) target_semaphore(%arg16 : memref<!tpu.dma_semaphore, #tpu.memory_space<semaphore_mem>>)
    %add3A_206 = arith.constant 1600 : i32
    %add3A_207 = arith.addi %mul3A_2, %add3A_206 : i32
    %dma_start3A_208 = arith.constant 0 : i32
    %dma_start3A_209 = arith.constant 0 : i32
    %dma_start3A_210 = tpu.memref_slice %arg6[%dma_start3A_208, %dma_start3A_209] : memref<4x400xi32, #tpu.memory_space<vmem>> -> memref<1x400xi32, #tpu.memory_space<vmem>>
    %dma_start3A_211 = tpu.memref_squeeze %dma_start3A_210 : memref<1x400xi32, #tpu.memory_space<vmem>> -> memref<400xi32, #tpu.memory_space<vmem>>
    %dma_start3A_212 = tpu.memref_slice %arg2[%add3A_207] : memref<819200xi32, #tpu.memory_space<hbm>> -> memref<400xi32, #tpu.memory_space<hbm>>
    %dma_start3A_213 = arith.constant 0 : i32
    %dma_start3A_214 = tpu.memref_slice %arg6[%dma_start3A_208, %dma_start3A_213] : memref<4x400xi32, #tpu.memory_space<vmem>> -> memref<1x400xi32, #tpu.memory_space<vmem>>
    %dma_start3A_215 = tpu.memref_squeeze %dma_start3A_214 : memref<1x400xi32, #tpu.memory_space<vmem>> -> memref<400xi32, #tpu.memory_space<vmem>>
    %dma_start3A_216 = tpu.memref_slice %arg2[%add3A_207] : memref<819200xi32, #tpu.memory_space<hbm>> -> memref<400xi32, #tpu.memory_space<hbm>>
    tpu.enqueue_dma source(%dma_start3A_216 : memref<400xi32, #tpu.memory_space<hbm>>) target(%dma_start3A_215 : memref<400xi32, #tpu.memory_space<vmem>>) target_semaphore(%arg9 : memref<!tpu.dma_semaphore, #tpu.memory_space<semaphore_mem>>)
    %dma_wait3A_217 = arith.constant 3 : i32
    %dma_wait3A_218 = arith.constant 0 : i32
    %dma_wait3A_219 = tpu.memref_slice %arg6[%dma_wait3A_217, %dma_wait3A_218] : memref<4x400xi32, #tpu.memory_space<vmem>> -> memref<1x400xi32, #tpu.memory_space<vmem>>
    %dma_wait3A_220 = tpu.memref_squeeze %dma_wait3A_219 : memref<1x400xi32, #tpu.memory_space<vmem>> -> memref<400xi32, #tpu.memory_space<vmem>>
    %dma_wait3A_221 = arith.constant 0 : i32
    %dma_wait3A_222 = tpu.memref_slice %arg2[%dma_wait3A_221] : memref<819200xi32, #tpu.memory_space<hbm>> -> memref<400xi32, #tpu.memory_space<hbm>>
    %dma_wait3A_223 = arith.constant 0 : i32
    %dma_wait3A_224 = tpu.memref_slice %arg6[%dma_wait3A_217, %dma_wait3A_223] : memref<4x400xi32, #tpu.memory_space<vmem>> -> memref<1x400xi32, #tpu.memory_space<vmem>>
    %dma_wait3A_225 = tpu.memref_squeeze %dma_wait3A_224 : memref<1x400xi32, #tpu.memory_space<vmem>> -> memref<400xi32, #tpu.memory_space<vmem>>
    %dma_wait3A_226 = arith.constant 0 : i32
    %dma_wait3A_227 = tpu.memref_slice %arg2[%dma_wait3A_226] : memref<819200xi32, #tpu.memory_space<hbm>> -> memref<400xi32, #tpu.memory_space<hbm>>
    tpu.wait_dma2 semaphore(%arg12 : memref<!tpu.dma_semaphore, #tpu.memory_space<semaphore_mem>>) src(%dma_wait3A_227 : memref<400xi32, #tpu.memory_space<hbm>>) dst(%dma_wait3A_225 : memref<400xi32, #tpu.memory_space<vmem>>)
    %dma_wait3A_228 = arith.constant 3 : i32
    %dma_wait3A_229 = arith.constant 0 : i32
    %dma_wait3A_230 = arith.constant 0 : i32
    %dma_wait3A_231 = tpu.memref_slice %arg7[%dma_wait3A_228, %dma_wait3A_229, %dma_wait3A_230] : memref<4x400x64xf32, #tpu.memory_space<vmem>> -> memref<1x400x64xf32, #tpu.memory_space<vmem>>
    %dma_wait3A_232 = tpu.memref_squeeze %dma_wait3A_231 : memref<1x400x64xf32, #tpu.memory_space<vmem>> -> memref<400x64xf32, #tpu.memory_space<vmem>>
    %dma_wait3A_233 = arith.constant 0 : i32
    %dma_wait3A_234 = arith.constant 0 : i32
    %dma_wait3A_235 = tpu.memref_slice %arg7[%dma_wait3A_228, %dma_wait3A_233, %dma_wait3A_234] : memref<4x400x64xf32, #tpu.memory_space<vmem>> -> memref<1x400x64xf32, #tpu.memory_space<vmem>>
    %dma_wait3A_236 = tpu.memref_squeeze %dma_wait3A_235 : memref<1x400x64xf32, #tpu.memory_space<vmem>> -> memref<400x64xf32, #tpu.memory_space<vmem>>
    tpu.wait_dma2 semaphore(%arg16 : memref<!tpu.dma_semaphore, #tpu.memory_space<semaphore_mem>>) src(%arg8 : memref<400x64xf32, #tpu.memory_space<vmem_shared>>) dst(%dma_wait3A_236 : memref<400x64xf32, #tpu.memory_space<vmem>>)
    %dma_start3A_237 = arith.constant 3 : i32
    %dma_start3A_238 = arith.constant 3 : i32
    %dma_start3A_239 = arith.constant 0 : i32
    %dma_start3A_240 = arith.constant 0 : i32
    %dma_start3A_241 = tpu.memref_slice %arg7[%dma_start3A_238, %dma_start3A_239, %dma_start3A_240] : memref<4x400x64xf32, #tpu.memory_space<vmem>> -> memref<1x400x64xf32, #tpu.memory_space<vmem>>
    %dma_start3A_242 = tpu.memref_squeeze %dma_start3A_241 : memref<1x400x64xf32, #tpu.memory_space<vmem>> -> memref<400x64xf32, #tpu.memory_space<vmem>>
    %dma_start3A_243 = arith.constant 0 : i32
    %dma_start3A_244 = tpu.memref_slice %arg6[%dma_start3A_237, %dma_start3A_243] : memref<4x400xi32, #tpu.memory_space<vmem>> -> memref<1x400xi32, #tpu.memory_space<vmem>>
    %dma_start3A_245 = tpu.memref_squeeze %dma_start3A_244 : memref<1x400xi32, #tpu.memory_space<vmem>> -> memref<400xi32, #tpu.memory_space<vmem>>
    %dma_start3A_246 = arith.constant 0 : i32
    %dma_start3A_247 = arith.constant 0 : i32
    %dma_start3A_248 = tpu.memref_slice %arg3[%dma_start3A_246, %dma_start3A_247] : memref<1000000x64xf32, #tpu.memory_space<hbm>> -> memref<1000000x64xf32, #tpu.memory_space<hbm>>
    tpu.enqueue_indirect_dma source(%dma_start3A_248 : memref<1000000x64xf32, #tpu.memory_space<hbm>>) target(%dma_start3A_242 : memref<400x64xf32, #tpu.memory_space<vmem>>) offsets(%dma_start3A_245 : memref<400xi32, #tpu.memory_space<vmem>>) semaphore(%arg20 : memref<!tpu.dma_semaphore, #tpu.memory_space<semaphore_mem>>) {add = true}
    %dma_wait3A_249 = arith.constant 1 : i32
    %dma_wait3A_250 = arith.constant 1 : i32
    %dma_wait3A_251 = arith.constant 0 : i32
    %dma_wait3A_252 = arith.constant 0 : i32
    %dma_wait3A_253 = tpu.memref_slice %arg7[%dma_wait3A_250, %dma_wait3A_251, %dma_wait3A_252] : memref<4x400x64xf32, #tpu.memory_space<vmem>> -> memref<1x400x64xf32, #tpu.memory_space<vmem>>
    %dma_wait3A_254 = tpu.memref_squeeze %dma_wait3A_253 : memref<1x400x64xf32, #tpu.memory_space<vmem>> -> memref<400x64xf32, #tpu.memory_space<vmem>>
    %dma_wait3A_255 = arith.constant 0 : i32
    %dma_wait3A_256 = tpu.memref_slice %arg6[%dma_wait3A_249, %dma_wait3A_255] : memref<4x400xi32, #tpu.memory_space<vmem>> -> memref<1x400xi32, #tpu.memory_space<vmem>>
    %dma_wait3A_257 = tpu.memref_squeeze %dma_wait3A_256 : memref<1x400xi32, #tpu.memory_space<vmem>> -> memref<400xi32, #tpu.memory_space<vmem>>
    %dma_wait3A_258 = arith.constant 0 : i32
    %dma_wait3A_259 = arith.constant 0 : i32
    %dma_wait3A_260 = tpu.memref_slice %arg3[%dma_wait3A_258, %dma_wait3A_259] : memref<1000000x64xf32, #tpu.memory_space<hbm>> -> memref<1000000x64xf32, #tpu.memory_space<hbm>>
    tpu.wait_indirect_dma semaphore(%arg18 : memref<!tpu.dma_semaphore, #tpu.memory_space<semaphore_mem>>) src(%dma_wait3A_260 : memref<1000000x64xf32, #tpu.memory_space<hbm>>) dst(%dma_wait3A_254 : memref<400x64xf32, #tpu.memory_space<vmem>>)
    %add3A_261 = arith.constant 400 : i32
    %add3A_262 = arith.addi %mul3A_2, %add3A_261 : i32
    %dma_start3A_263 = arith.constant 1 : i32
    %dma_start3A_264 = arith.constant 0 : i32
    %dma_start3A_265 = arith.constant 0 : i32
    %dma_start3A_266 = tpu.memref_slice %arg7[%dma_start3A_263, %dma_start3A_264, %dma_start3A_265] : memref<4x400x64xf32, #tpu.memory_space<vmem>> -> memref<1x400x64xf32, #tpu.memory_space<vmem>>
    %dma_start3A_267 = tpu.memref_squeeze %dma_start3A_266 : memref<1x400x64xf32, #tpu.memory_space<vmem>> -> memref<400x64xf32, #tpu.memory_space<vmem>>
    %dma_start3A_268 = arith.constant 0 : i32
    %dma_start3A_269 = tpu.memref_slice %arg5[%add3A_262, %dma_start3A_268] : memref<819200x64xf32, #tpu.memory_space<hbm>> -> memref<400x64xf32, #tpu.memory_space<hbm>>
    %dma_start3A_270 = arith.constant 0 : i32
    %dma_start3A_271 = tpu.memref_slice %arg5[%add3A_262, %dma_start3A_270] : memref<819200x64xf32, #tpu.memory_space<hbm>> -> memref<400x64xf32, #tpu.memory_space<hbm>>
    %dma_start3A_272 = arith.constant 0 : i32
    %dma_start3A_273 = arith.constant 0 : i32
    %dma_start3A_274 = tpu.memref_slice %arg7[%dma_start3A_263, %dma_start3A_272, %dma_start3A_273] : memref<4x400x64xf32, #tpu.memory_space<vmem>> -> memref<1x400x64xf32, #tpu.memory_space<vmem>>
    %dma_start3A_275 = tpu.memref_squeeze %dma_start3A_274 : memref<1x400x64xf32, #tpu.memory_space<vmem>> -> memref<400x64xf32, #tpu.memory_space<vmem>>
    tpu.enqueue_dma source(%dma_start3A_275 : memref<400x64xf32, #tpu.memory_space<vmem>>) target(%dma_start3A_271 : memref<400x64xf32, #tpu.memory_space<hbm>>) target_semaphore(%arg22 : memref<!tpu.dma_semaphore, #tpu.memory_space<semaphore_mem>>)
    %dma_wait3A_276 = arith.constant 0 : i32
    %dma_wait3A_277 = arith.constant 0 : i32
    %dma_wait3A_278 = arith.constant 0 : i32
    %dma_wait3A_279 = tpu.memref_slice %arg7[%dma_wait3A_276, %dma_wait3A_277, %dma_wait3A_278] : memref<4x400x64xf32, #tpu.memory_space<vmem>> -> memref<1x400x64xf32, #tpu.memory_space<vmem>>
    %dma_wait3A_280 = tpu.memref_squeeze %dma_wait3A_279 : memref<1x400x64xf32, #tpu.memory_space<vmem>> -> memref<400x64xf32, #tpu.memory_space<vmem>>
    %dma_wait3A_281 = arith.constant 0 : i32
    %dma_wait3A_282 = arith.constant 0 : i32
    %dma_wait3A_283 = tpu.memref_slice %arg5[%dma_wait3A_281, %dma_wait3A_282] : memref<819200x64xf32, #tpu.memory_space<hbm>> -> memref<400x64xf32, #tpu.memory_space<hbm>>
    %dma_wait3A_284 = arith.constant 0 : i32
    %dma_wait3A_285 = arith.constant 0 : i32
    %dma_wait3A_286 = tpu.memref_slice %arg5[%dma_wait3A_284, %dma_wait3A_285] : memref<819200x64xf32, #tpu.memory_space<hbm>> -> memref<400x64xf32, #tpu.memory_space<hbm>>
    %dma_wait3A_287 = arith.constant 0 : i32
    %dma_wait3A_288 = arith.constant 0 : i32
    %dma_wait3A_289 = tpu.memref_slice %arg7[%dma_wait3A_276, %dma_wait3A_287, %dma_wait3A_288] : memref<4x400x64xf32, #tpu.memory_space<vmem>> -> memref<1x400x64xf32, #tpu.memory_space<vmem>>
    %dma_wait3A_290 = tpu.memref_squeeze %dma_wait3A_289 : memref<1x400x64xf32, #tpu.memory_space<vmem>> -> memref<400x64xf32, #tpu.memory_space<vmem>>
    tpu.wait_dma2 semaphore(%arg21 : memref<!tpu.dma_semaphore, #tpu.memory_space<semaphore_mem>>) src(%dma_wait3A_290 : memref<400x64xf32, #tpu.memory_space<vmem>>) dst(%dma_wait3A_286 : memref<400x64xf32, #tpu.memory_space<hbm>>)
    %dma_start3A_291 = arith.constant 0 : i32
    %dma_start3A_292 = arith.constant 0 : i32
    %dma_start3A_293 = arith.constant 0 : i32
    %dma_start3A_294 = tpu.memref_slice %arg7[%dma_start3A_291, %dma_start3A_292, %dma_start3A_293] : memref<4x400x64xf32, #tpu.memory_space<vmem>> -> memref<1x400x64xf32, #tpu.memory_space<vmem>>
    %dma_start3A_295 = tpu.memref_squeeze %dma_start3A_294 : memref<1x400x64xf32, #tpu.memory_space<vmem>> -> memref<400x64xf32, #tpu.memory_space<vmem>>
    %dma_start3A_296 = arith.constant 0 : i32
    %dma_start3A_297 = arith.constant 0 : i32
    %dma_start3A_298 = tpu.memref_slice %arg7[%dma_start3A_291, %dma_start3A_296, %dma_start3A_297] : memref<4x400x64xf32, #tpu.memory_space<vmem>> -> memref<1x400x64xf32, #tpu.memory_space<vmem>>
    %dma_start3A_299 = tpu.memref_squeeze %dma_start3A_298 : memref<1x400x64xf32, #tpu.memory_space<vmem>> -> memref<400x64xf32, #tpu.memory_space<vmem>>
    tpu.enqueue_dma source(%arg8 : memref<400x64xf32, #tpu.memory_space<vmem_shared>>) target(%dma_start3A_299 : memref<400x64xf32, #tpu.memory_space<vmem>>) target_semaphore(%arg13 : memref<!tpu.dma_semaphore, #tpu.memory_space<semaphore_mem>>)
    %add3A_300 = arith.constant 2000 : i32
    %add3A_301 = arith.addi %mul3A_2, %add3A_300 : i32
    %dma_start3A_302 = arith.constant 1 : i32
    %dma_start3A_303 = arith.constant 0 : i32
    %dma_start3A_304 = tpu.memref_slice %arg6[%dma_start3A_302, %dma_start3A_303] : memref<4x400xi32, #tpu.memory_space<vmem>> -> memref<1x400xi32, #tpu.memory_space<vmem>>
    %dma_start3A_305 = tpu.memref_squeeze %dma_start3A_304 : memref<1x400xi32, #tpu.memory_space<vmem>> -> memref<400xi32, #tpu.memory_space<vmem>>
    %dma_start3A_306 = tpu.memref_slice %arg2[%add3A_301] : memref<819200xi32, #tpu.memory_space<hbm>> -> memref<400xi32, #tpu.memory_space<hbm>>
    %dma_start3A_307 = arith.constant 0 : i32
    %dma_start3A_308 = tpu.memref_slice %arg6[%dma_start3A_302, %dma_start3A_307] : memref<4x400xi32, #tpu.memory_space<vmem>> -> memref<1x400xi32, #tpu.memory_space<vmem>>
    %dma_start3A_309 = tpu.memref_squeeze %dma_start3A_308 : memref<1x400xi32, #tpu.memory_space<vmem>> -> memref<400xi32, #tpu.memory_space<vmem>>
    %dma_start3A_310 = tpu.memref_slice %arg2[%add3A_301] : memref<819200xi32, #tpu.memory_space<hbm>> -> memref<400xi32, #tpu.memory_space<hbm>>
    tpu.enqueue_dma source(%dma_start3A_310 : memref<400xi32, #tpu.memory_space<hbm>>) target(%dma_start3A_309 : memref<400xi32, #tpu.memory_space<vmem>>) target_semaphore(%arg10 : memref<!tpu.dma_semaphore, #tpu.memory_space<semaphore_mem>>)
    %dma_wait3A_311 = arith.constant 0 : i32
    %dma_wait3A_312 = arith.constant 0 : i32
    %dma_wait3A_313 = tpu.memref_slice %arg6[%dma_wait3A_311, %dma_wait3A_312] : memref<4x400xi32, #tpu.memory_space<vmem>> -> memref<1x400xi32, #tpu.memory_space<vmem>>
    %dma_wait3A_314 = tpu.memref_squeeze %dma_wait3A_313 : memref<1x400xi32, #tpu.memory_space<vmem>> -> memref<400xi32, #tpu.memory_space<vmem>>
    %dma_wait3A_315 = arith.constant 0 : i32
    %dma_wait3A_316 = tpu.memref_slice %arg2[%dma_wait3A_315] : memref<819200xi32, #tpu.memory_space<hbm>> -> memref<400xi32, #tpu.memory_space<hbm>>
    %dma_wait3A_317 = arith.constant 0 : i32
    %dma_wait3A_318 = tpu.memref_slice %arg6[%dma_wait3A_311, %dma_wait3A_317] : memref<4x400xi32, #tpu.memory_space<vmem>> -> memref<1x400xi32, #tpu.memory_space<vmem>>
    %dma_wait3A_319 = tpu.memref_squeeze %dma_wait3A_318 : memref<1x400xi32, #tpu.memory_space<vmem>> -> memref<400xi32, #tpu.memory_space<vmem>>
    %dma_wait3A_320 = arith.constant 0 : i32
    %dma_wait3A_321 = tpu.memref_slice %arg2[%dma_wait3A_320] : memref<819200xi32, #tpu.memory_space<hbm>> -> memref<400xi32, #tpu.memory_space<hbm>>
    tpu.wait_dma2 semaphore(%arg9 : memref<!tpu.dma_semaphore, #tpu.memory_space<semaphore_mem>>) src(%dma_wait3A_321 : memref<400xi32, #tpu.memory_space<hbm>>) dst(%dma_wait3A_319 : memref<400xi32, #tpu.memory_space<vmem>>)
    %dma_wait3A_322 = arith.constant 0 : i32
    %dma_wait3A_323 = arith.constant 0 : i32
    %dma_wait3A_324 = arith.constant 0 : i32
    %dma_wait3A_325 = tpu.memref_slice %arg7[%dma_wait3A_322, %dma_wait3A_323, %dma_wait3A_324] : memref<4x400x64xf32, #tpu.memory_space<vmem>> -> memref<1x400x64xf32, #tpu.memory_space<vmem>>
    %dma_wait3A_326 = tpu.memref_squeeze %dma_wait3A_325 : memref<1x400x64xf32, #tpu.memory_space<vmem>> -> memref<400x64xf32, #tpu.memory_space<vmem>>
    %dma_wait3A_327 = arith.constant 0 : i32
    %dma_wait3A_328 = arith.constant 0 : i32
    %dma_wait3A_329 = tpu.memref_slice %arg7[%dma_wait3A_322, %dma_wait3A_327, %dma_wait3A_328] : memref<4x400x64xf32, #tpu.memory_space<vmem>> -> memref<1x400x64xf32, #tpu.memory_space<vmem>>
    %dma_wait3A_330 = tpu.memref_squeeze %dma_wait3A_329 : memref<1x400x64xf32, #tpu.memory_space<vmem>> -> memref<400x64xf32, #tpu.memory_space<vmem>>
    tpu.wait_dma2 semaphore(%arg13 : memref<!tpu.dma_semaphore, #tpu.memory_space<semaphore_mem>>) src(%arg8 : memref<400x64xf32, #tpu.memory_space<vmem_shared>>) dst(%dma_wait3A_330 : memref<400x64xf32, #tpu.memory_space<vmem>>)
    %dma_start3A_331 = arith.constant 0 : i32
    %dma_start3A_332 = arith.constant 0 : i32
    %dma_start3A_333 = arith.constant 0 : i32
    %dma_start3A_334 = arith.constant 0 : i32
    %dma_start3A_335 = tpu.memref_slice %arg7[%dma_start3A_332, %dma_start3A_333, %dma_start3A_334] : memref<4x400x64xf32, #tpu.memory_space<vmem>> -> memref<1x400x64xf32, #tpu.memory_space<vmem>>
    %dma_start3A_336 = tpu.memref_squeeze %dma_start3A_335 : memref<1x400x64xf32, #tpu.memory_space<vmem>> -> memref<400x64xf32, #tpu.memory_space<vmem>>
    %dma_start3A_337 = arith.constant 0 : i32
    %dma_start3A_338 = tpu.memref_slice %arg6[%dma_start3A_331, %dma_start3A_337] : memref<4x400xi32, #tpu.memory_space<vmem>> -> memref<1x400xi32, #tpu.memory_space<vmem>>
    %dma_start3A_339 = tpu.memref_squeeze %dma_start3A_338 : memref<1x400xi32, #tpu.memory_space<vmem>> -> memref<400xi32, #tpu.memory_space<vmem>>
    %dma_start3A_340 = arith.constant 0 : i32
    %dma_start3A_341 = arith.constant 0 : i32
    %dma_start3A_342 = tpu.memref_slice %arg3[%dma_start3A_340, %dma_start3A_341] : memref<1000000x64xf32, #tpu.memory_space<hbm>> -> memref<1000000x64xf32, #tpu.memory_space<hbm>>
    tpu.enqueue_indirect_dma source(%dma_start3A_342 : memref<1000000x64xf32, #tpu.memory_space<hbm>>) target(%dma_start3A_336 : memref<400x64xf32, #tpu.memory_space<vmem>>) offsets(%dma_start3A_339 : memref<400xi32, #tpu.memory_space<vmem>>) semaphore(%arg17 : memref<!tpu.dma_semaphore, #tpu.memory_space<semaphore_mem>>) {add = true}
    %dma_wait3A_343 = arith.constant 2 : i32
    %dma_wait3A_344 = arith.constant 2 : i32
    %dma_wait3A_345 = arith.constant 0 : i32
    %dma_wait3A_346 = arith.constant 0 : i32
    %dma_wait3A_347 = tpu.memref_slice %arg7[%dma_wait3A_344, %dma_wait3A_345, %dma_wait3A_346] : memref<4x400x64xf32, #tpu.memory_space<vmem>> -> memref<1x400x64xf32, #tpu.memory_space<vmem>>
    %dma_wait3A_348 = tpu.memref_squeeze %dma_wait3A_347 : memref<1x400x64xf32, #tpu.memory_space<vmem>> -> memref<400x64xf32, #tpu.memory_space<vmem>>
    %dma_wait3A_349 = arith.constant 0 : i32
    %dma_wait3A_350 = tpu.memref_slice %arg6[%dma_wait3A_343, %dma_wait3A_349] : memref<4x400xi32, #tpu.memory_space<vmem>> -> memref<1x400xi32, #tpu.memory_space<vmem>>
    %dma_wait3A_351 = tpu.memref_squeeze %dma_wait3A_350 : memref<1x400xi32, #tpu.memory_space<vmem>> -> memref<400xi32, #tpu.memory_space<vmem>>
    %dma_wait3A_352 = arith.constant 0 : i32
    %dma_wait3A_353 = arith.constant 0 : i32
    %dma_wait3A_354 = tpu.memref_slice %arg3[%dma_wait3A_352, %dma_wait3A_353] : memref<1000000x64xf32, #tpu.memory_space<hbm>> -> memref<1000000x64xf32, #tpu.memory_space<hbm>>
    tpu.wait_indirect_dma semaphore(%arg19 : memref<!tpu.dma_semaphore, #tpu.memory_space<semaphore_mem>>) src(%dma_wait3A_354 : memref<1000000x64xf32, #tpu.memory_space<hbm>>) dst(%dma_wait3A_348 : memref<400x64xf32, #tpu.memory_space<vmem>>)
    %add3A_355 = arith.constant 800 : i32
    %add3A_356 = arith.addi %mul3A_2, %add3A_355 : i32
    %dma_start3A_357 = arith.constant 2 : i32
    %dma_start3A_358 = arith.constant 0 : i32
    %dma_start3A_359 = arith.constant 0 : i32
    %dma_start3A_360 = tpu.memref_slice %arg7[%dma_start3A_357, %dma_start3A_358, %dma_start3A_359] : memref<4x400x64xf32, #tpu.memory_space<vmem>> -> memref<1x400x64xf32, #tpu.memory_space<vmem>>
    %dma_start3A_361 = tpu.memref_squeeze %dma_start3A_360 : memref<1x400x64xf32, #tpu.memory_space<vmem>> -> memref<400x64xf32, #tpu.memory_space<vmem>>
    %dma_start3A_362 = arith.constant 0 : i32
    %dma_start3A_363 = tpu.memref_slice %arg5[%add3A_356, %dma_start3A_362] : memref<819200x64xf32, #tpu.memory_space<hbm>> -> memref<400x64xf32, #tpu.memory_space<hbm>>
    %dma_start3A_364 = arith.constant 0 : i32
    %dma_start3A_365 = tpu.memref_slice %arg5[%add3A_356, %dma_start3A_364] : memref<819200x64xf32, #tpu.memory_space<hbm>> -> memref<400x64xf32, #tpu.memory_space<hbm>>
    %dma_start3A_366 = arith.constant 0 : i32
    %dma_start3A_367 = arith.constant 0 : i32
    %dma_start3A_368 = tpu.memref_slice %arg7[%dma_start3A_357, %dma_start3A_366, %dma_start3A_367] : memref<4x400x64xf32, #tpu.memory_space<vmem>> -> memref<1x400x64xf32, #tpu.memory_space<vmem>>
    %dma_start3A_369 = tpu.memref_squeeze %dma_start3A_368 : memref<1x400x64xf32, #tpu.memory_space<vmem>> -> memref<400x64xf32, #tpu.memory_space<vmem>>
    tpu.enqueue_dma source(%dma_start3A_369 : memref<400x64xf32, #tpu.memory_space<vmem>>) target(%dma_start3A_365 : memref<400x64xf32, #tpu.memory_space<hbm>>) target_semaphore(%arg23 : memref<!tpu.dma_semaphore, #tpu.memory_space<semaphore_mem>>)
    %dma_wait3A_370 = arith.constant 1 : i32
    %dma_wait3A_371 = arith.constant 0 : i32
    %dma_wait3A_372 = arith.constant 0 : i32
    %dma_wait3A_373 = tpu.memref_slice %arg7[%dma_wait3A_370, %dma_wait3A_371, %dma_wait3A_372] : memref<4x400x64xf32, #tpu.memory_space<vmem>> -> memref<1x400x64xf32, #tpu.memory_space<vmem>>
    %dma_wait3A_374 = tpu.memref_squeeze %dma_wait3A_373 : memref<1x400x64xf32, #tpu.memory_space<vmem>> -> memref<400x64xf32, #tpu.memory_space<vmem>>
    %dma_wait3A_375 = arith.constant 0 : i32
    %dma_wait3A_376 = arith.constant 0 : i32
    %dma_wait3A_377 = tpu.memref_slice %arg5[%dma_wait3A_375, %dma_wait3A_376] : memref<819200x64xf32, #tpu.memory_space<hbm>> -> memref<400x64xf32, #tpu.memory_space<hbm>>
    %dma_wait3A_378 = arith.constant 0 : i32
    %dma_wait3A_379 = arith.constant 0 : i32
    %dma_wait3A_380 = tpu.memref_slice %arg5[%dma_wait3A_378, %dma_wait3A_379] : memref<819200x64xf32, #tpu.memory_space<hbm>> -> memref<400x64xf32, #tpu.memory_space<hbm>>
    %dma_wait3A_381 = arith.constant 0 : i32
    %dma_wait3A_382 = arith.constant 0 : i32
    %dma_wait3A_383 = tpu.memref_slice %arg7[%dma_wait3A_370, %dma_wait3A_381, %dma_wait3A_382] : memref<4x400x64xf32, #tpu.memory_space<vmem>> -> memref<1x400x64xf32, #tpu.memory_space<vmem>>
    %dma_wait3A_384 = tpu.memref_squeeze %dma_wait3A_383 : memref<1x400x64xf32, #tpu.memory_space<vmem>> -> memref<400x64xf32, #tpu.memory_space<vmem>>
    tpu.wait_dma2 semaphore(%arg22 : memref<!tpu.dma_semaphore, #tpu.memory_space<semaphore_mem>>) src(%dma_wait3A_384 : memref<400x64xf32, #tpu.memory_space<vmem>>) dst(%dma_wait3A_380 : memref<400x64xf32, #tpu.memory_space<hbm>>)
    %dma_start3A_385 = arith.constant 1 : i32
    %dma_start3A_386 = arith.constant 0 : i32
    %dma_start3A_387 = arith.constant 0 : i32
    %dma_start3A_388 = tpu.memref_slice %arg7[%dma_start3A_385, %dma_start3A_386, %dma_start3A_387] : memref<4x400x64xf32, #tpu.memory_space<vmem>> -> memref<1x400x64xf32, #tpu.memory_space<vmem>>
    %dma_start3A_389 = tpu.memref_squeeze %dma_start3A_388 : memref<1x400x64xf32, #tpu.memory_space<vmem>> -> memref<400x64xf32, #tpu.memory_space<vmem>>
    %dma_start3A_390 = arith.constant 0 : i32
    %dma_start3A_391 = arith.constant 0 : i32
    %dma_start3A_392 = tpu.memref_slice %arg7[%dma_start3A_385, %dma_start3A_390, %dma_start3A_391] : memref<4x400x64xf32, #tpu.memory_space<vmem>> -> memref<1x400x64xf32, #tpu.memory_space<vmem>>
    %dma_start3A_393 = tpu.memref_squeeze %dma_start3A_392 : memref<1x400x64xf32, #tpu.memory_space<vmem>> -> memref<400x64xf32, #tpu.memory_space<vmem>>
    tpu.enqueue_dma source(%arg8 : memref<400x64xf32, #tpu.memory_space<vmem_shared>>) target(%dma_start3A_393 : memref<400x64xf32, #tpu.memory_space<vmem>>) target_semaphore(%arg14 : memref<!tpu.dma_semaphore, #tpu.memory_space<semaphore_mem>>)
    %add3A_394 = arith.constant 2400 : i32
    %add3A_395 = arith.addi %mul3A_2, %add3A_394 : i32
    %dma_start3A_396 = arith.constant 2 : i32
    %dma_start3A_397 = arith.constant 0 : i32
    %dma_start3A_398 = tpu.memref_slice %arg6[%dma_start3A_396, %dma_start3A_397] : memref<4x400xi32, #tpu.memory_space<vmem>> -> memref<1x400xi32, #tpu.memory_space<vmem>>
    %dma_start3A_399 = tpu.memref_squeeze %dma_start3A_398 : memref<1x400xi32, #tpu.memory_space<vmem>> -> memref<400xi32, #tpu.memory_space<vmem>>
    %dma_start3A_400 = tpu.memref_slice %arg2[%add3A_395] : memref<819200xi32, #tpu.memory_space<hbm>> -> memref<400xi32, #tpu.memory_space<hbm>>
    %dma_start3A_401 = arith.constant 0 : i32
    %dma_start3A_402 = tpu.memref_slice %arg6[%dma_start3A_396, %dma_start3A_401] : memref<4x400xi32, #tpu.memory_space<vmem>> -> memref<1x400xi32, #tpu.memory_space<vmem>>
    %dma_start3A_403 = tpu.memref_squeeze %dma_start3A_402 : memref<1x400xi32, #tpu.memory_space<vmem>> -> memref<400xi32, #tpu.memory_space<vmem>>
    %dma_start3A_404 = tpu.memref_slice %arg2[%add3A_395] : memref<819200xi32, #tpu.memory_space<hbm>> -> memref<400xi32, #tpu.memory_space<hbm>>
    tpu.enqueue_dma source(%dma_start3A_404 : memref<400xi32, #tpu.memory_space<hbm>>) target(%dma_start3A_403 : memref<400xi32, #tpu.memory_space<vmem>>) target_semaphore(%arg11 : memref<!tpu.dma_semaphore, #tpu.memory_space<semaphore_mem>>)
    %dma_wait3A_405 = arith.constant 1 : i32
    %dma_wait3A_406 = arith.constant 0 : i32
    %dma_wait3A_407 = tpu.memref_slice %arg6[%dma_wait3A_405, %dma_wait3A_406] : memref<4x400xi32, #tpu.memory_space<vmem>> -> memref<1x400xi32, #tpu.memory_space<vmem>>
    %dma_wait3A_408 = tpu.memref_squeeze %dma_wait3A_407 : memref<1x400xi32, #tpu.memory_space<vmem>> -> memref<400xi32, #tpu.memory_space<vmem>>
    %dma_wait3A_409 = arith.constant 0 : i32
    %dma_wait3A_410 = tpu.memref_slice %arg2[%dma_wait3A_409] : memref<819200xi32, #tpu.memory_space<hbm>> -> memref<400xi32, #tpu.memory_space<hbm>>
    %dma_wait3A_411 = arith.constant 0 : i32
    %dma_wait3A_412 = tpu.memref_slice %arg6[%dma_wait3A_405, %dma_wait3A_411] : memref<4x400xi32, #tpu.memory_space<vmem>> -> memref<1x400xi32, #tpu.memory_space<vmem>>
    %dma_wait3A_413 = tpu.memref_squeeze %dma_wait3A_412 : memref<1x400xi32, #tpu.memory_space<vmem>> -> memref<400xi32, #tpu.memory_space<vmem>>
    %dma_wait3A_414 = arith.constant 0 : i32
    %dma_wait3A_415 = tpu.memref_slice %arg2[%dma_wait3A_414] : memref<819200xi32, #tpu.memory_space<hbm>> -> memref<400xi32, #tpu.memory_space<hbm>>
    tpu.wait_dma2 semaphore(%arg10 : memref<!tpu.dma_semaphore, #tpu.memory_space<semaphore_mem>>) src(%dma_wait3A_415 : memref<400xi32, #tpu.memory_space<hbm>>) dst(%dma_wait3A_413 : memref<400xi32, #tpu.memory_space<vmem>>)
    %dma_wait3A_416 = arith.constant 1 : i32
    %dma_wait3A_417 = arith.constant 0 : i32
    %dma_wait3A_418 = arith.constant 0 : i32
    %dma_wait3A_419 = tpu.memref_slice %arg7[%dma_wait3A_416, %dma_wait3A_417, %dma_wait3A_418] : memref<4x400x64xf32, #tpu.memory_space<vmem>> -> memref<1x400x64xf32, #tpu.memory_space<vmem>>
    %dma_wait3A_420 = tpu.memref_squeeze %dma_wait3A_419 : memref<1x400x64xf32, #tpu.memory_space<vmem>> -> memref<400x64xf32, #tpu.memory_space<vmem>>
    %dma_wait3A_421 = arith.constant 0 : i32
    %dma_wait3A_422 = arith.constant 0 : i32
    %dma_wait3A_423 = tpu.memref_slice %arg7[%dma_wait3A_416, %dma_wait3A_421, %dma_wait3A_422] : memref<4x400x64xf32, #tpu.memory_space<vmem>> -> memref<1x400x64xf32, #tpu.memory_space<vmem>>
    %dma_wait3A_424 = tpu.memref_squeeze %dma_wait3A_423 : memref<1x400x64xf32, #tpu.memory_space<vmem>> -> memref<400x64xf32, #tpu.memory_space<vmem>>
    tpu.wait_dma2 semaphore(%arg14 : memref<!tpu.dma_semaphore, #tpu.memory_space<semaphore_mem>>) src(%arg8 : memref<400x64xf32, #tpu.memory_space<vmem_shared>>) dst(%dma_wait3A_424 : memref<400x64xf32, #tpu.memory_space<vmem>>)
    %dma_start3A_425 = arith.constant 1 : i32
    %dma_start3A_426 = arith.constant 1 : i32
    %dma_start3A_427 = arith.constant 0 : i32
    %dma_start3A_428 = arith.constant 0 : i32
    %dma_start3A_429 = tpu.memref_slice %arg7[%dma_start3A_426, %dma_start3A_427, %dma_start3A_428] : memref<4x400x64xf32, #tpu.memory_space<vmem>> -> memref<1x400x64xf32, #tpu.memory_space<vmem>>
    %dma_start3A_430 = tpu.memref_squeeze %dma_start3A_429 : memref<1x400x64xf32, #tpu.memory_space<vmem>> -> memref<400x64xf32, #tpu.memory_space<vmem>>
    %dma_start3A_431 = arith.constant 0 : i32
    %dma_start3A_432 = tpu.memref_slice %arg6[%dma_start3A_425, %dma_start3A_431] : memref<4x400xi32, #tpu.memory_space<vmem>> -> memref<1x400xi32, #tpu.memory_space<vmem>>
    %dma_start3A_433 = tpu.memref_squeeze %dma_start3A_432 : memref<1x400xi32, #tpu.memory_space<vmem>> -> memref<400xi32, #tpu.memory_space<vmem>>
    %dma_start3A_434 = arith.constant 0 : i32
    %dma_start3A_435 = arith.constant 0 : i32
    %dma_start3A_436 = tpu.memref_slice %arg3[%dma_start3A_434, %dma_start3A_435] : memref<1000000x64xf32, #tpu.memory_space<hbm>> -> memref<1000000x64xf32, #tpu.memory_space<hbm>>
    tpu.enqueue_indirect_dma source(%dma_start3A_436 : memref<1000000x64xf32, #tpu.memory_space<hbm>>) target(%dma_start3A_430 : memref<400x64xf32, #tpu.memory_space<vmem>>) offsets(%dma_start3A_433 : memref<400xi32, #tpu.memory_space<vmem>>) semaphore(%arg18 : memref<!tpu.dma_semaphore, #tpu.memory_space<semaphore_mem>>) {add = true}
    %dma_wait3A_437 = arith.constant 3 : i32
    %dma_wait3A_438 = arith.constant 3 : i32
    %dma_wait3A_439 = arith.constant 0 : i32
    %dma_wait3A_440 = arith.constant 0 : i32
    %dma_wait3A_441 = tpu.memref_slice %arg7[%dma_wait3A_438, %dma_wait3A_439, %dma_wait3A_440] : memref<4x400x64xf32, #tpu.memory_space<vmem>> -> memref<1x400x64xf32, #tpu.memory_space<vmem>>
    %dma_wait3A_442 = tpu.memref_squeeze %dma_wait3A_441 : memref<1x400x64xf32, #tpu.memory_space<vmem>> -> memref<400x64xf32, #tpu.memory_space<vmem>>
    %dma_wait3A_443 = arith.constant 0 : i32
    %dma_wait3A_444 = tpu.memref_slice %arg6[%dma_wait3A_437, %dma_wait3A_443] : memref<4x400xi32, #tpu.memory_space<vmem>> -> memref<1x400xi32, #tpu.memory_space<vmem>>
    %dma_wait3A_445 = tpu.memref_squeeze %dma_wait3A_444 : memref<1x400xi32, #tpu.memory_space<vmem>> -> memref<400xi32, #tpu.memory_space<vmem>>
    %dma_wait3A_446 = arith.constant 0 : i32
    %dma_wait3A_447 = arith.constant 0 : i32
    %dma_wait3A_448 = tpu.memref_slice %arg3[%dma_wait3A_446, %dma_wait3A_447] : memref<1000000x64xf32, #tpu.memory_space<hbm>> -> memref<1000000x64xf32, #tpu.memory_space<hbm>>
    tpu.wait_indirect_dma semaphore(%arg20 : memref<!tpu.dma_semaphore, #tpu.memory_space<semaphore_mem>>) src(%dma_wait3A_448 : memref<1000000x64xf32, #tpu.memory_space<hbm>>) dst(%dma_wait3A_442 : memref<400x64xf32, #tpu.memory_space<vmem>>)
    %add3A_449 = arith.constant 1200 : i32
    %add3A_450 = arith.addi %mul3A_2, %add3A_449 : i32
    %dma_start3A_451 = arith.constant 3 : i32
    %dma_start3A_452 = arith.constant 0 : i32
    %dma_start3A_453 = arith.constant 0 : i32
    %dma_start3A_454 = tpu.memref_slice %arg7[%dma_start3A_451, %dma_start3A_452, %dma_start3A_453] : memref<4x400x64xf32, #tpu.memory_space<vmem>> -> memref<1x400x64xf32, #tpu.memory_space<vmem>>
    %dma_start3A_455 = tpu.memref_squeeze %dma_start3A_454 : memref<1x400x64xf32, #tpu.memory_space<vmem>> -> memref<400x64xf32, #tpu.memory_space<vmem>>
    %dma_start3A_456 = arith.constant 0 : i32
    %dma_start3A_457 = tpu.memref_slice %arg5[%add3A_450, %dma_start3A_456] : memref<819200x64xf32, #tpu.memory_space<hbm>> -> memref<400x64xf32, #tpu.memory_space<hbm>>
    %dma_start3A_458 = arith.constant 0 : i32
    %dma_start3A_459 = tpu.memref_slice %arg5[%add3A_450, %dma_start3A_458] : memref<819200x64xf32, #tpu.memory_space<hbm>> -> memref<400x64xf32, #tpu.memory_space<hbm>>
    %dma_start3A_460 = arith.constant 0 : i32
    %dma_start3A_461 = arith.constant 0 : i32
    %dma_start3A_462 = tpu.memref_slice %arg7[%dma_start3A_451, %dma_start3A_460, %dma_start3A_461] : memref<4x400x64xf32, #tpu.memory_space<vmem>> -> memref<1x400x64xf32, #tpu.memory_space<vmem>>
    %dma_start3A_463 = tpu.memref_squeeze %dma_start3A_462 : memref<1x400x64xf32, #tpu.memory_space<vmem>> -> memref<400x64xf32, #tpu.memory_space<vmem>>
    tpu.enqueue_dma source(%dma_start3A_463 : memref<400x64xf32, #tpu.memory_space<vmem>>) target(%dma_start3A_459 : memref<400x64xf32, #tpu.memory_space<hbm>>) target_semaphore(%arg24 : memref<!tpu.dma_semaphore, #tpu.memory_space<semaphore_mem>>)
    %scan3A = arith.constant 0 : i32
    %scan3A_464 = arith.constant 14 : i32
    %scan3A_465 = arith.addi %scan3A, %scan3A_464 : i32
    %scan3A_466 = arith.constant 1 : i32
    scf.for %scan3A_759 = %scan3A to %scan3A_465 step %scan3A_466  : i32 {
      %mul3A_760 = arith.constant 4 : i32
      %mul3A_761 = arith.muli %scan3A_759, %mul3A_760 : i32
      %add3A_762 = arith.constant 4 : i32
      %add3A_763 = arith.addi %add3A_762, %mul3A_761 : i32
      %add3A_764 = arith.constant 0 : i32
      %add3A_765 = arith.addi %add3A_763, %add3A_764 : i32
      %dma_wait3A_766 = arith.constant 2 : i32
      %dma_wait3A_767 = arith.constant 0 : i32
      %dma_wait3A_768 = arith.constant 0 : i32
      %dma_wait3A_769 = tpu.memref_slice %arg7[%dma_wait3A_766, %dma_wait3A_767, %dma_wait3A_768] : memref<4x400x64xf32, #tpu.memory_space<vmem>> -> memref<1x400x64xf32, #tpu.memory_space<vmem>>
      %dma_wait3A_770 = tpu.memref_squeeze %dma_wait3A_769 : memref<1x400x64xf32, #tpu.memory_space<vmem>> -> memref<400x64xf32, #tpu.memory_space<vmem>>
      %dma_wait3A_771 = arith.constant 0 : i32
      %dma_wait3A_772 = arith.constant 0 : i32
      %dma_wait3A_773 = tpu.memref_slice %arg5[%dma_wait3A_771, %dma_wait3A_772] : memref<819200x64xf32, #tpu.memory_space<hbm>> -> memref<400x64xf32, #tpu.memory_space<hbm>>
      %dma_wait3A_774 = arith.constant 0 : i32
      %dma_wait3A_775 = arith.constant 0 : i32
      %dma_wait3A_776 = tpu.memref_slice %arg5[%dma_wait3A_774, %dma_wait3A_775] : memref<819200x64xf32, #tpu.memory_space<hbm>> -> memref<400x64xf32, #tpu.memory_space<hbm>>
      %dma_wait3A_777 = arith.constant 0 : i32
      %dma_wait3A_778 = arith.constant 0 : i32
      %dma_wait3A_779 = tpu.memref_slice %arg7[%dma_wait3A_766, %dma_wait3A_777, %dma_wait3A_778] : memref<4x400x64xf32, #tpu.memory_space<vmem>> -> memref<1x400x64xf32, #tpu.memory_space<vmem>>
      %dma_wait3A_780 = tpu.memref_squeeze %dma_wait3A_779 : memref<1x400x64xf32, #tpu.memory_space<vmem>> -> memref<400x64xf32, #tpu.memory_space<vmem>>
      tpu.wait_dma2 semaphore(%arg23 : memref<!tpu.dma_semaphore, #tpu.memory_space<semaphore_mem>>) src(%dma_wait3A_780 : memref<400x64xf32, #tpu.memory_space<vmem>>) dst(%dma_wait3A_776 : memref<400x64xf32, #tpu.memory_space<hbm>>)
      %dma_start3A_781 = arith.constant 2 : i32
      %dma_start3A_782 = arith.constant 0 : i32
      %dma_start3A_783 = arith.constant 0 : i32
      %dma_start3A_784 = tpu.memref_slice %arg7[%dma_start3A_781, %dma_start3A_782, %dma_start3A_783] : memref<4x400x64xf32, #tpu.memory_space<vmem>> -> memref<1x400x64xf32, #tpu.memory_space<vmem>>
      %dma_start3A_785 = tpu.memref_squeeze %dma_start3A_784 : memref<1x400x64xf32, #tpu.memory_space<vmem>> -> memref<400x64xf32, #tpu.memory_space<vmem>>
      %dma_start3A_786 = arith.constant 0 : i32
      %dma_start3A_787 = arith.constant 0 : i32
      %dma_start3A_788 = tpu.memref_slice %arg7[%dma_start3A_781, %dma_start3A_786, %dma_start3A_787] : memref<4x400x64xf32, #tpu.memory_space<vmem>> -> memref<1x400x64xf32, #tpu.memory_space<vmem>>
      %dma_start3A_789 = tpu.memref_squeeze %dma_start3A_788 : memref<1x400x64xf32, #tpu.memory_space<vmem>> -> memref<400x64xf32, #tpu.memory_space<vmem>>
      tpu.enqueue_dma source(%arg8 : memref<400x64xf32, #tpu.memory_space<vmem_shared>>) target(%dma_start3A_789 : memref<400x64xf32, #tpu.memory_space<vmem>>) target_semaphore(%arg15 : memref<!tpu.dma_semaphore, #tpu.memory_space<semaphore_mem>>)
      %add3A_790 = arith.constant 3 : i32
      %add3A_791 = arith.addi %add3A_765, %add3A_790 : i32
      %mul3A_792 = arith.constant 400 : i32
      %mul3A_793 = arith.muli %add3A_791, %mul3A_792 : i32
      %add3A_794 = arith.addi %mul3A_2, %mul3A_793 : i32
      %dma_start3A_795 = arith.constant 3 : i32
      %dma_start3A_796 = arith.constant 0 : i32
      %dma_start3A_797 = tpu.memref_slice %arg6[%dma_start3A_795, %dma_start3A_796] : memref<4x400xi32, #tpu.memory_space<vmem>> -> memref<1x400xi32, #tpu.memory_space<vmem>>
      %dma_start3A_798 = tpu.memref_squeeze %dma_start3A_797 : memref<1x400xi32, #tpu.memory_space<vmem>> -> memref<400xi32, #tpu.memory_space<vmem>>
      %dma_start3A_799 = tpu.memref_slice %arg2[%add3A_794] : memref<819200xi32, #tpu.memory_space<hbm>> -> memref<400xi32, #tpu.memory_space<hbm>>
      %dma_start3A_800 = arith.constant 0 : i32
      %dma_start3A_801 = tpu.memref_slice %arg6[%dma_start3A_795, %dma_start3A_800] : memref<4x400xi32, #tpu.memory_space<vmem>> -> memref<1x400xi32, #tpu.memory_space<vmem>>
      %dma_start3A_802 = tpu.memref_squeeze %dma_start3A_801 : memref<1x400xi32, #tpu.memory_space<vmem>> -> memref<400xi32, #tpu.memory_space<vmem>>
      %dma_start3A_803 = tpu.memref_slice %arg2[%add3A_794] : memref<819200xi32, #tpu.memory_space<hbm>> -> memref<400xi32, #tpu.memory_space<hbm>>
      tpu.enqueue_dma source(%dma_start3A_803 : memref<400xi32, #tpu.memory_space<hbm>>) target(%dma_start3A_802 : memref<400xi32, #tpu.memory_space<vmem>>) target_semaphore(%arg12 : memref<!tpu.dma_semaphore, #tpu.memory_space<semaphore_mem>>)
      %dma_wait3A_804 = arith.constant 2 : i32
      %dma_wait3A_805 = arith.constant 0 : i32
      %dma_wait3A_806 = tpu.memref_slice %arg6[%dma_wait3A_804, %dma_wait3A_805] : memref<4x400xi32, #tpu.memory_space<vmem>> -> memref<1x400xi32, #tpu.memory_space<vmem>>
      %dma_wait3A_807 = tpu.memref_squeeze %dma_wait3A_806 : memref<1x400xi32, #tpu.memory_space<vmem>> -> memref<400xi32, #tpu.memory_space<vmem>>
      %dma_wait3A_808 = arith.constant 0 : i32
      %dma_wait3A_809 = tpu.memref_slice %arg2[%dma_wait3A_808] : memref<819200xi32, #tpu.memory_space<hbm>> -> memref<400xi32, #tpu.memory_space<hbm>>
      %dma_wait3A_810 = arith.constant 0 : i32
      %dma_wait3A_811 = tpu.memref_slice %arg6[%dma_wait3A_804, %dma_wait3A_810] : memref<4x400xi32, #tpu.memory_space<vmem>> -> memref<1x400xi32, #tpu.memory_space<vmem>>
      %dma_wait3A_812 = tpu.memref_squeeze %dma_wait3A_811 : memref<1x400xi32, #tpu.memory_space<vmem>> -> memref<400xi32, #tpu.memory_space<vmem>>
      %dma_wait3A_813 = arith.constant 0 : i32
      %dma_wait3A_814 = tpu.memref_slice %arg2[%dma_wait3A_813] : memref<819200xi32, #tpu.memory_space<hbm>> -> memref<400xi32, #tpu.memory_space<hbm>>
      tpu.wait_dma2 semaphore(%arg11 : memref<!tpu.dma_semaphore, #tpu.memory_space<semaphore_mem>>) src(%dma_wait3A_814 : memref<400xi32, #tpu.memory_space<hbm>>) dst(%dma_wait3A_812 : memref<400xi32, #tpu.memory_space<vmem>>)
      %dma_wait3A_815 = arith.constant 2 : i32
      %dma_wait3A_816 = arith.constant 0 : i32
      %dma_wait3A_817 = arith.constant 0 : i32
      %dma_wait3A_818 = tpu.memref_slice %arg7[%dma_wait3A_815, %dma_wait3A_816, %dma_wait3A_817] : memref<4x400x64xf32, #tpu.memory_space<vmem>> -> memref<1x400x64xf32, #tpu.memory_space<vmem>>
      %dma_wait3A_819 = tpu.memref_squeeze %dma_wait3A_818 : memref<1x400x64xf32, #tpu.memory_space<vmem>> -> memref<400x64xf32, #tpu.memory_space<vmem>>
      %dma_wait3A_820 = arith.constant 0 : i32
      %dma_wait3A_821 = arith.constant 0 : i32
      %dma_wait3A_822 = tpu.memref_slice %arg7[%dma_wait3A_815, %dma_wait3A_820, %dma_wait3A_821] : memref<4x400x64xf32, #tpu.memory_space<vmem>> -> memref<1x400x64xf32, #tpu.memory_space<vmem>>
      %dma_wait3A_823 = tpu.memref_squeeze %dma_wait3A_822 : memref<1x400x64xf32, #tpu.memory_space<vmem>> -> memref<400x64xf32, #tpu.memory_space<vmem>>
      tpu.wait_dma2 semaphore(%arg15 : memref<!tpu.dma_semaphore, #tpu.memory_space<semaphore_mem>>) src(%arg8 : memref<400x64xf32, #tpu.memory_space<vmem_shared>>) dst(%dma_wait3A_823 : memref<400x64xf32, #tpu.memory_space<vmem>>)
      %dma_start3A_824 = arith.constant 2 : i32
      %dma_start3A_825 = arith.constant 2 : i32
      %dma_start3A_826 = arith.constant 0 : i32
      %dma_start3A_827 = arith.constant 0 : i32
      %dma_start3A_828 = tpu.memref_slice %arg7[%dma_start3A_825, %dma_start3A_826, %dma_start3A_827] : memref<4x400x64xf32, #tpu.memory_space<vmem>> -> memref<1x400x64xf32, #tpu.memory_space<vmem>>
      %dma_start3A_829 = tpu.memref_squeeze %dma_start3A_828 : memref<1x400x64xf32, #tpu.memory_space<vmem>> -> memref<400x64xf32, #tpu.memory_space<vmem>>
      %dma_start3A_830 = arith.constant 0 : i32
      %dma_start3A_831 = tpu.memref_slice %arg6[%dma_start3A_824, %dma_start3A_830] : memref<4x400xi32, #tpu.memory_space<vmem>> -> memref<1x400xi32, #tpu.memory_space<vmem>>
      %dma_start3A_832 = tpu.memref_squeeze %dma_start3A_831 : memref<1x400xi32, #tpu.memory_space<vmem>> -> memref<400xi32, #tpu.memory_space<vmem>>
      %dma_start3A_833 = arith.constant 0 : i32
      %dma_start3A_834 = arith.constant 0 : i32
      %dma_start3A_835 = tpu.memref_slice %arg3[%dma_start3A_833, %dma_start3A_834] : memref<1000000x64xf32, #tpu.memory_space<hbm>> -> memref<1000000x64xf32, #tpu.memory_space<hbm>>
      tpu.enqueue_indirect_dma source(%dma_start3A_835 : memref<1000000x64xf32, #tpu.memory_space<hbm>>) target(%dma_start3A_829 : memref<400x64xf32, #tpu.memory_space<vmem>>) offsets(%dma_start3A_832 : memref<400xi32, #tpu.memory_space<vmem>>) semaphore(%arg19 : memref<!tpu.dma_semaphore, #tpu.memory_space<semaphore_mem>>) {add = true}
      %dma_wait3A_836 = arith.constant 0 : i32
      %dma_wait3A_837 = arith.constant 0 : i32
      %dma_wait3A_838 = arith.constant 0 : i32
      %dma_wait3A_839 = arith.constant 0 : i32
      %dma_wait3A_840 = tpu.memref_slice %arg7[%dma_wait3A_837, %dma_wait3A_838, %dma_wait3A_839] : memref<4x400x64xf32, #tpu.memory_space<vmem>> -> memref<1x400x64xf32, #tpu.memory_space<vmem>>
      %dma_wait3A_841 = tpu.memref_squeeze %dma_wait3A_840 : memref<1x400x64xf32, #tpu.memory_space<vmem>> -> memref<400x64xf32, #tpu.memory_space<vmem>>
      %dma_wait3A_842 = arith.constant 0 : i32
      %dma_wait3A_843 = tpu.memref_slice %arg6[%dma_wait3A_836, %dma_wait3A_842] : memref<4x400xi32, #tpu.memory_space<vmem>> -> memref<1x400xi32, #tpu.memory_space<vmem>>
      %dma_wait3A_844 = tpu.memref_squeeze %dma_wait3A_843 : memref<1x400xi32, #tpu.memory_space<vmem>> -> memref<400xi32, #tpu.memory_space<vmem>>
      %dma_wait3A_845 = arith.constant 0 : i32
      %dma_wait3A_846 = arith.constant 0 : i32
      %dma_wait3A_847 = tpu.memref_slice %arg3[%dma_wait3A_845, %dma_wait3A_846] : memref<1000000x64xf32, #tpu.memory_space<hbm>> -> memref<1000000x64xf32, #tpu.memory_space<hbm>>
      tpu.wait_indirect_dma semaphore(%arg17 : memref<!tpu.dma_semaphore, #tpu.memory_space<semaphore_mem>>) src(%dma_wait3A_847 : memref<1000000x64xf32, #tpu.memory_space<hbm>>) dst(%dma_wait3A_841 : memref<400x64xf32, #tpu.memory_space<vmem>>)
      %mul3A_848 = arith.constant 400 : i32
      %mul3A_849 = arith.muli %add3A_765, %mul3A_848 : i32
      %add3A_850 = arith.addi %mul3A_2, %mul3A_849 : i32
      %dma_start3A_851 = arith.constant 0 : i32
      %dma_start3A_852 = arith.constant 0 : i32
      %dma_start3A_853 = arith.constant 0 : i32
      %dma_start3A_854 = tpu.memref_slice %arg7[%dma_start3A_851, %dma_start3A_852, %dma_start3A_853] : memref<4x400x64xf32, #tpu.memory_space<vmem>> -> memref<1x400x64xf32, #tpu.memory_space<vmem>>
      %dma_start3A_855 = tpu.memref_squeeze %dma_start3A_854 : memref<1x400x64xf32, #tpu.memory_space<vmem>> -> memref<400x64xf32, #tpu.memory_space<vmem>>
      %dma_start3A_856 = arith.constant 0 : i32
      %dma_start3A_857 = tpu.memref_slice %arg5[%add3A_850, %dma_start3A_856] : memref<819200x64xf32, #tpu.memory_space<hbm>> -> memref<400x64xf32, #tpu.memory_space<hbm>>
      %dma_start3A_858 = arith.constant 0 : i32
      %dma_start3A_859 = tpu.memref_slice %arg5[%add3A_850, %dma_start3A_858] : memref<819200x64xf32, #tpu.memory_space<hbm>> -> memref<400x64xf32, #tpu.memory_space<hbm>>
      %dma_start3A_860 = arith.constant 0 : i32
      %dma_start3A_861 = arith.constant 0 : i32
      %dma_start3A_862 = tpu.memref_slice %arg7[%dma_start3A_851, %dma_start3A_860, %dma_start3A_861] : memref<4x400x64xf32, #tpu.memory_space<vmem>> -> memref<1x400x64xf32, #tpu.memory_space<vmem>>
      %dma_start3A_863 = tpu.memref_squeeze %dma_start3A_862 : memref<1x400x64xf32, #tpu.memory_space<vmem>> -> memref<400x64xf32, #tpu.memory_space<vmem>>
      tpu.enqueue_dma source(%dma_start3A_863 : memref<400x64xf32, #tpu.memory_space<vmem>>) target(%dma_start3A_859 : memref<400x64xf32, #tpu.memory_space<hbm>>) target_semaphore(%arg21 : memref<!tpu.dma_semaphore, #tpu.memory_space<semaphore_mem>>)
      %add3A_864 = arith.constant 1 : i32
      %add3A_865 = arith.addi %add3A_763, %add3A_864 : i32
      %dma_wait3A_866 = arith.constant 3 : i32
      %dma_wait3A_867 = arith.constant 0 : i32
      %dma_wait3A_868 = arith.constant 0 : i32
      %dma_wait3A_869 = tpu.memref_slice %arg7[%dma_wait3A_866, %dma_wait3A_867, %dma_wait3A_868] : memref<4x400x64xf32, #tpu.memory_space<vmem>> -> memref<1x400x64xf32, #tpu.memory_space<vmem>>
      %dma_wait3A_870 = tpu.memref_squeeze %dma_wait3A_869 : memref<1x400x64xf32, #tpu.memory_space<vmem>> -> memref<400x64xf32, #tpu.memory_space<vmem>>
      %dma_wait3A_871 = arith.constant 0 : i32
      %dma_wait3A_872 = arith.constant 0 : i32
      %dma_wait3A_873 = tpu.memref_slice %arg5[%dma_wait3A_871, %dma_wait3A_872] : memref<819200x64xf32, #tpu.memory_space<hbm>> -> memref<400x64xf32, #tpu.memory_space<hbm>>
      %dma_wait3A_874 = arith.constant 0 : i32
      %dma_wait3A_875 = arith.constant 0 : i32
      %dma_wait3A_876 = tpu.memref_slice %arg5[%dma_wait3A_874, %dma_wait3A_875] : memref<819200x64xf32, #tpu.memory_space<hbm>> -> memref<400x64xf32, #tpu.memory_space<hbm>>
      %dma_wait3A_877 = arith.constant 0 : i32
      %dma_wait3A_878 = arith.constant 0 : i32
      %dma_wait3A_879 = tpu.memref_slice %arg7[%dma_wait3A_866, %dma_wait3A_877, %dma_wait3A_878] : memref<4x400x64xf32, #tpu.memory_space<vmem>> -> memref<1x400x64xf32, #tpu.memory_space<vmem>>
      %dma_wait3A_880 = tpu.memref_squeeze %dma_wait3A_879 : memref<1x400x64xf32, #tpu.memory_space<vmem>> -> memref<400x64xf32, #tpu.memory_space<vmem>>
      tpu.wait_dma2 semaphore(%arg24 : memref<!tpu.dma_semaphore, #tpu.memory_space<semaphore_mem>>) src(%dma_wait3A_880 : memref<400x64xf32, #tpu.memory_space<vmem>>) dst(%dma_wait3A_876 : memref<400x64xf32, #tpu.memory_space<hbm>>)
      %dma_start3A_881 = arith.constant 3 : i32
      %dma_start3A_882 = arith.constant 0 : i32
      %dma_start3A_883 = arith.constant 0 : i32
      %dma_start3A_884 = tpu.memref_slice %arg7[%dma_start3A_881, %dma_start3A_882, %dma_start3A_883] : memref<4x400x64xf32, #tpu.memory_space<vmem>> -> memref<1x400x64xf32, #tpu.memory_space<vmem>>
      %dma_start3A_885 = tpu.memref_squeeze %dma_start3A_884 : memref<1x400x64xf32, #tpu.memory_space<vmem>> -> memref<400x64xf32, #tpu.memory_space<vmem>>
      %dma_start3A_886 = arith.constant 0 : i32
      %dma_start3A_887 = arith.constant 0 : i32
      %dma_start3A_888 = tpu.memref_slice %arg7[%dma_start3A_881, %dma_start3A_886, %dma_start3A_887] : memref<4x400x64xf32, #tpu.memory_space<vmem>> -> memref<1x400x64xf32, #tpu.memory_space<vmem>>
      %dma_start3A_889 = tpu.memref_squeeze %dma_start3A_888 : memref<1x400x64xf32, #tpu.memory_space<vmem>> -> memref<400x64xf32, #tpu.memory_space<vmem>>
      tpu.enqueue_dma source(%arg8 : memref<400x64xf32, #tpu.memory_space<vmem_shared>>) target(%dma_start3A_889 : memref<400x64xf32, #tpu.memory_space<vmem>>) target_semaphore(%arg16 : memref<!tpu.dma_semaphore, #tpu.memory_space<semaphore_mem>>)
      %add3A_890 = arith.constant 3 : i32
      %add3A_891 = arith.addi %add3A_865, %add3A_890 : i32
      %mul3A_892 = arith.constant 400 : i32
      %mul3A_893 = arith.muli %add3A_891, %mul3A_892 : i32
      %add3A_894 = arith.addi %mul3A_2, %mul3A_893 : i32
      %dma_start3A_895 = arith.constant 0 : i32
      %dma_start3A_896 = arith.constant 0 : i32
      %dma_start3A_897 = tpu.memref_slice %arg6[%dma_start3A_895, %dma_start3A_896] : memref<4x400xi32, #tpu.memory_space<vmem>> -> memref<1x400xi32, #tpu.memory_space<vmem>>
      %dma_start3A_898 = tpu.memref_squeeze %dma_start3A_897 : memref<1x400xi32, #tpu.memory_space<vmem>> -> memref<400xi32, #tpu.memory_space<vmem>>
      %dma_start3A_899 = tpu.memref_slice %arg2[%add3A_894] : memref<819200xi32, #tpu.memory_space<hbm>> -> memref<400xi32, #tpu.memory_space<hbm>>
      %dma_start3A_900 = arith.constant 0 : i32
      %dma_start3A_901 = tpu.memref_slice %arg6[%dma_start3A_895, %dma_start3A_900] : memref<4x400xi32, #tpu.memory_space<vmem>> -> memref<1x400xi32, #tpu.memory_space<vmem>>
      %dma_start3A_902 = tpu.memref_squeeze %dma_start3A_901 : memref<1x400xi32, #tpu.memory_space<vmem>> -> memref<400xi32, #tpu.memory_space<vmem>>
      %dma_start3A_903 = tpu.memref_slice %arg2[%add3A_894] : memref<819200xi32, #tpu.memory_space<hbm>> -> memref<400xi32, #tpu.memory_space<hbm>>
      tpu.enqueue_dma source(%dma_start3A_903 : memref<400xi32, #tpu.memory_space<hbm>>) target(%dma_start3A_902 : memref<400xi32, #tpu.memory_space<vmem>>) target_semaphore(%arg9 : memref<!tpu.dma_semaphore, #tpu.memory_space<semaphore_mem>>)
      %dma_wait3A_904 = arith.constant 3 : i32
      %dma_wait3A_905 = arith.constant 0 : i32
      %dma_wait3A_906 = tpu.memref_slice %arg6[%dma_wait3A_904, %dma_wait3A_905] : memref<4x400xi32, #tpu.memory_space<vmem>> -> memref<1x400xi32, #tpu.memory_space<vmem>>
      %dma_wait3A_907 = tpu.memref_squeeze %dma_wait3A_906 : memref<1x400xi32, #tpu.memory_space<vmem>> -> memref<400xi32, #tpu.memory_space<vmem>>
      %dma_wait3A_908 = arith.constant 0 : i32
      %dma_wait3A_909 = tpu.memref_slice %arg2[%dma_wait3A_908] : memref<819200xi32, #tpu.memory_space<hbm>> -> memref<400xi32, #tpu.memory_space<hbm>>
      %dma_wait3A_910 = arith.constant 0 : i32
      %dma_wait3A_911 = tpu.memref_slice %arg6[%dma_wait3A_904, %dma_wait3A_910] : memref<4x400xi32, #tpu.memory_space<vmem>> -> memref<1x400xi32, #tpu.memory_space<vmem>>
      %dma_wait3A_912 = tpu.memref_squeeze %dma_wait3A_911 : memref<1x400xi32, #tpu.memory_space<vmem>> -> memref<400xi32, #tpu.memory_space<vmem>>
      %dma_wait3A_913 = arith.constant 0 : i32
      %dma_wait3A_914 = tpu.memref_slice %arg2[%dma_wait3A_913] : memref<819200xi32, #tpu.memory_space<hbm>> -> memref<400xi32, #tpu.memory_space<hbm>>
      tpu.wait_dma2 semaphore(%arg12 : memref<!tpu.dma_semaphore, #tpu.memory_space<semaphore_mem>>) src(%dma_wait3A_914 : memref<400xi32, #tpu.memory_space<hbm>>) dst(%dma_wait3A_912 : memref<400xi32, #tpu.memory_space<vmem>>)
      %dma_wait3A_915 = arith.constant 3 : i32
      %dma_wait3A_916 = arith.constant 0 : i32
      %dma_wait3A_917 = arith.constant 0 : i32
      %dma_wait3A_918 = tpu.memref_slice %arg7[%dma_wait3A_915, %dma_wait3A_916, %dma_wait3A_917] : memref<4x400x64xf32, #tpu.memory_space<vmem>> -> memref<1x400x64xf32, #tpu.memory_space<vmem>>
      %dma_wait3A_919 = tpu.memref_squeeze %dma_wait3A_918 : memref<1x400x64xf32, #tpu.memory_space<vmem>> -> memref<400x64xf32, #tpu.memory_space<vmem>>
      %dma_wait3A_920 = arith.constant 0 : i32
      %dma_wait3A_921 = arith.constant 0 : i32
      %dma_wait3A_922 = tpu.memref_slice %arg7[%dma_wait3A_915, %dma_wait3A_920, %dma_wait3A_921] : memref<4x400x64xf32, #tpu.memory_space<vmem>> -> memref<1x400x64xf32, #tpu.memory_space<vmem>>
      %dma_wait3A_923 = tpu.memref_squeeze %dma_wait3A_922 : memref<1x400x64xf32, #tpu.memory_space<vmem>> -> memref<400x64xf32, #tpu.memory_space<vmem>>
      tpu.wait_dma2 semaphore(%arg16 : memref<!tpu.dma_semaphore, #tpu.memory_space<semaphore_mem>>) src(%arg8 : memref<400x64xf32, #tpu.memory_space<vmem_shared>>) dst(%dma_wait3A_923 : memref<400x64xf32, #tpu.memory_space<vmem>>)
      %dma_start3A_924 = arith.constant 3 : i32
      %dma_start3A_925 = arith.constant 3 : i32
      %dma_start3A_926 = arith.constant 0 : i32
      %dma_start3A_927 = arith.constant 0 : i32
      %dma_start3A_928 = tpu.memref_slice %arg7[%dma_start3A_925, %dma_start3A_926, %dma_start3A_927] : memref<4x400x64xf32, #tpu.memory_space<vmem>> -> memref<1x400x64xf32, #tpu.memory_space<vmem>>
      %dma_start3A_929 = tpu.memref_squeeze %dma_start3A_928 : memref<1x400x64xf32, #tpu.memory_space<vmem>> -> memref<400x64xf32, #tpu.memory_space<vmem>>
      %dma_start3A_930 = arith.constant 0 : i32
      %dma_start3A_931 = tpu.memref_slice %arg6[%dma_start3A_924, %dma_start3A_930] : memref<4x400xi32, #tpu.memory_space<vmem>> -> memref<1x400xi32, #tpu.memory_space<vmem>>
      %dma_start3A_932 = tpu.memref_squeeze %dma_start3A_931 : memref<1x400xi32, #tpu.memory_space<vmem>> -> memref<400xi32, #tpu.memory_space<vmem>>
      %dma_start3A_933 = arith.constant 0 : i32
      %dma_start3A_934 = arith.constant 0 : i32
      %dma_start3A_935 = tpu.memref_slice %arg3[%dma_start3A_933, %dma_start3A_934] : memref<1000000x64xf32, #tpu.memory_space<hbm>> -> memref<1000000x64xf32, #tpu.memory_space<hbm>>
      tpu.enqueue_indirect_dma source(%dma_start3A_935 : memref<1000000x64xf32, #tpu.memory_space<hbm>>) target(%dma_start3A_929 : memref<400x64xf32, #tpu.memory_space<vmem>>) offsets(%dma_start3A_932 : memref<400xi32, #tpu.memory_space<vmem>>) semaphore(%arg20 : memref<!tpu.dma_semaphore, #tpu.memory_space<semaphore_mem>>) {add = true}
      %dma_wait3A_936 = arith.constant 1 : i32
      %dma_wait3A_937 = arith.constant 1 : i32
      %dma_wait3A_938 = arith.constant 0 : i32
      %dma_wait3A_939 = arith.constant 0 : i32
      %dma_wait3A_940 = tpu.memref_slice %arg7[%dma_wait3A_937, %dma_wait3A_938, %dma_wait3A_939] : memref<4x400x64xf32, #tpu.memory_space<vmem>> -> memref<1x400x64xf32, #tpu.memory_space<vmem>>
      %dma_wait3A_941 = tpu.memref_squeeze %dma_wait3A_940 : memref<1x400x64xf32, #tpu.memory_space<vmem>> -> memref<400x64xf32, #tpu.memory_space<vmem>>
      %dma_wait3A_942 = arith.constant 0 : i32
      %dma_wait3A_943 = tpu.memref_slice %arg6[%dma_wait3A_936, %dma_wait3A_942] : memref<4x400xi32, #tpu.memory_space<vmem>> -> memref<1x400xi32, #tpu.memory_space<vmem>>
      %dma_wait3A_944 = tpu.memref_squeeze %dma_wait3A_943 : memref<1x400xi32, #tpu.memory_space<vmem>> -> memref<400xi32, #tpu.memory_space<vmem>>
      %dma_wait3A_945 = arith.constant 0 : i32
      %dma_wait3A_946 = arith.constant 0 : i32
      %dma_wait3A_947 = tpu.memref_slice %arg3[%dma_wait3A_945, %dma_wait3A_946] : memref<1000000x64xf32, #tpu.memory_space<hbm>> -> memref<1000000x64xf32, #tpu.memory_space<hbm>>
      tpu.wait_indirect_dma semaphore(%arg18 : memref<!tpu.dma_semaphore, #tpu.memory_space<semaphore_mem>>) src(%dma_wait3A_947 : memref<1000000x64xf32, #tpu.memory_space<hbm>>) dst(%dma_wait3A_941 : memref<400x64xf32, #tpu.memory_space<vmem>>)
      %mul3A_948 = arith.constant 400 : i32
      %mul3A_949 = arith.muli %add3A_865, %mul3A_948 : i32
      %add3A_950 = arith.addi %mul3A_2, %mul3A_949 : i32
      %dma_start3A_951 = arith.constant 1 : i32
      %dma_start3A_952 = arith.constant 0 : i32
      %dma_start3A_953 = arith.constant 0 : i32
      %dma_start3A_954 = tpu.memref_slice %arg7[%dma_start3A_951, %dma_start3A_952, %dma_start3A_953] : memref<4x400x64xf32, #tpu.memory_space<vmem>> -> memref<1x400x64xf32, #tpu.memory_space<vmem>>
      %dma_start3A_955 = tpu.memref_squeeze %dma_start3A_954 : memref<1x400x64xf32, #tpu.memory_space<vmem>> -> memref<400x64xf32, #tpu.memory_space<vmem>>
      %dma_start3A_956 = arith.constant 0 : i32
      %dma_start3A_957 = tpu.memref_slice %arg5[%add3A_950, %dma_start3A_956] : memref<819200x64xf32, #tpu.memory_space<hbm>> -> memref<400x64xf32, #tpu.memory_space<hbm>>
      %dma_start3A_958 = arith.constant 0 : i32
      %dma_start3A_959 = tpu.memref_slice %arg5[%add3A_950, %dma_start3A_958] : memref<819200x64xf32, #tpu.memory_space<hbm>> -> memref<400x64xf32, #tpu.memory_space<hbm>>
      %dma_start3A_960 = arith.constant 0 : i32
      %dma_start3A_961 = arith.constant 0 : i32
      %dma_start3A_962 = tpu.memref_slice %arg7[%dma_start3A_951, %dma_start3A_960, %dma_start3A_961] : memref<4x400x64xf32, #tpu.memory_space<vmem>> -> memref<1x400x64xf32, #tpu.memory_space<vmem>>
      %dma_start3A_963 = tpu.memref_squeeze %dma_start3A_962 : memref<1x400x64xf32, #tpu.memory_space<vmem>> -> memref<400x64xf32, #tpu.memory_space<vmem>>
      tpu.enqueue_dma source(%dma_start3A_963 : memref<400x64xf32, #tpu.memory_space<vmem>>) target(%dma_start3A_959 : memref<400x64xf32, #tpu.memory_space<hbm>>) target_semaphore(%arg22 : memref<!tpu.dma_semaphore, #tpu.memory_space<semaphore_mem>>)
      %add3A_964 = arith.constant 2 : i32
      %add3A_965 = arith.addi %add3A_763, %add3A_964 : i32
      %dma_wait3A_966 = arith.constant 0 : i32
      %dma_wait3A_967 = arith.constant 0 : i32
      %dma_wait3A_968 = arith.constant 0 : i32
      %dma_wait3A_969 = tpu.memref_slice %arg7[%dma_wait3A_966, %dma_wait3A_967, %dma_wait3A_968] : memref<4x400x64xf32, #tpu.memory_space<vmem>> -> memref<1x400x64xf32, #tpu.memory_space<vmem>>
      %dma_wait3A_970 = tpu.memref_squeeze %dma_wait3A_969 : memref<1x400x64xf32, #tpu.memory_space<vmem>> -> memref<400x64xf32, #tpu.memory_space<vmem>>
      %dma_wait3A_971 = arith.constant 0 : i32
      %dma_wait3A_972 = arith.constant 0 : i32
      %dma_wait3A_973 = tpu.memref_slice %arg5[%dma_wait3A_971, %dma_wait3A_972] : memref<819200x64xf32, #tpu.memory_space<hbm>> -> memref<400x64xf32, #tpu.memory_space<hbm>>
      %dma_wait3A_974 = arith.constant 0 : i32
      %dma_wait3A_975 = arith.constant 0 : i32
      %dma_wait3A_976 = tpu.memref_slice %arg5[%dma_wait3A_974, %dma_wait3A_975] : memref<819200x64xf32, #tpu.memory_space<hbm>> -> memref<400x64xf32, #tpu.memory_space<hbm>>
      %dma_wait3A_977 = arith.constant 0 : i32
      %dma_wait3A_978 = arith.constant 0 : i32
      %dma_wait3A_979 = tpu.memref_slice %arg7[%dma_wait3A_966, %dma_wait3A_977, %dma_wait3A_978] : memref<4x400x64xf32, #tpu.memory_space<vmem>> -> memref<1x400x64xf32, #tpu.memory_space<vmem>>
      %dma_wait3A_980 = tpu.memref_squeeze %dma_wait3A_979 : memref<1x400x64xf32, #tpu.memory_space<vmem>> -> memref<400x64xf32, #tpu.memory_space<vmem>>
      tpu.wait_dma2 semaphore(%arg21 : memref<!tpu.dma_semaphore, #tpu.memory_space<semaphore_mem>>) src(%dma_wait3A_980 : memref<400x64xf32, #tpu.memory_space<vmem>>) dst(%dma_wait3A_976 : memref<400x64xf32, #tpu.memory_space<hbm>>)
      %dma_start3A_981 = arith.constant 0 : i32
      %dma_start3A_982 = arith.constant 0 : i32
      %dma_start3A_983 = arith.constant 0 : i32
      %dma_start3A_984 = tpu.memref_slice %arg7[%dma_start3A_981, %dma_start3A_982, %dma_start3A_983] : memref<4x400x64xf32, #tpu.memory_space<vmem>> -> memref<1x400x64xf32, #tpu.memory_space<vmem>>
      %dma_start3A_985 = tpu.memref_squeeze %dma_start3A_984 : memref<1x400x64xf32, #tpu.memory_space<vmem>> -> memref<400x64xf32, #tpu.memory_space<vmem>>
      %dma_start3A_986 = arith.constant 0 : i32
      %dma_start3A_987 = arith.constant 0 : i32
      %dma_start3A_988 = tpu.memref_slice %arg7[%dma_start3A_981, %dma_start3A_986, %dma_start3A_987] : memref<4x400x64xf32, #tpu.memory_space<vmem>> -> memref<1x400x64xf32, #tpu.memory_space<vmem>>
      %dma_start3A_989 = tpu.memref_squeeze %dma_start3A_988 : memref<1x400x64xf32, #tpu.memory_space<vmem>> -> memref<400x64xf32, #tpu.memory_space<vmem>>
      tpu.enqueue_dma source(%arg8 : memref<400x64xf32, #tpu.memory_space<vmem_shared>>) target(%dma_start3A_989 : memref<400x64xf32, #tpu.memory_space<vmem>>) target_semaphore(%arg13 : memref<!tpu.dma_semaphore, #tpu.memory_space<semaphore_mem>>)
      %add3A_990 = arith.constant 3 : i32
      %add3A_991 = arith.addi %add3A_965, %add3A_990 : i32
      %mul3A_992 = arith.constant 400 : i32
      %mul3A_993 = arith.muli %add3A_991, %mul3A_992 : i32
      %add3A_994 = arith.addi %mul3A_2, %mul3A_993 : i32
      %dma_start3A_995 = arith.constant 1 : i32
      %dma_start3A_996 = arith.constant 0 : i32
      %dma_start3A_997 = tpu.memref_slice %arg6[%dma_start3A_995, %dma_start3A_996] : memref<4x400xi32, #tpu.memory_space<vmem>> -> memref<1x400xi32, #tpu.memory_space<vmem>>
      %dma_start3A_998 = tpu.memref_squeeze %dma_start3A_997 : memref<1x400xi32, #tpu.memory_space<vmem>> -> memref<400xi32, #tpu.memory_space<vmem>>
      %dma_start3A_999 = tpu.memref_slice %arg2[%add3A_994] : memref<819200xi32, #tpu.memory_space<hbm>> -> memref<400xi32, #tpu.memory_space<hbm>>
      %dma_start3A_1000 = arith.constant 0 : i32
      %dma_start3A_1001 = tpu.memref_slice %arg6[%dma_start3A_995, %dma_start3A_1000] : memref<4x400xi32, #tpu.memory_space<vmem>> -> memref<1x400xi32, #tpu.memory_space<vmem>>
      %dma_start3A_1002 = tpu.memref_squeeze %dma_start3A_1001 : memref<1x400xi32, #tpu.memory_space<vmem>> -> memref<400xi32, #tpu.memory_space<vmem>>
      %dma_start3A_1003 = tpu.memref_slice %arg2[%add3A_994] : memref<819200xi32, #tpu.memory_space<hbm>> -> memref<400xi32, #tpu.memory_space<hbm>>
      tpu.enqueue_dma source(%dma_start3A_1003 : memref<400xi32, #tpu.memory_space<hbm>>) target(%dma_start3A_1002 : memref<400xi32, #tpu.memory_space<vmem>>) target_semaphore(%arg10 : memref<!tpu.dma_semaphore, #tpu.memory_space<semaphore_mem>>)
      %dma_wait3A_1004 = arith.constant 0 : i32
      %dma_wait3A_1005 = arith.constant 0 : i32
      %dma_wait3A_1006 = tpu.memref_slice %arg6[%dma_wait3A_1004, %dma_wait3A_1005] : memref<4x400xi32, #tpu.memory_space<vmem>> -> memref<1x400xi32, #tpu.memory_space<vmem>>
      %dma_wait3A_1007 = tpu.memref_squeeze %dma_wait3A_1006 : memref<1x400xi32, #tpu.memory_space<vmem>> -> memref<400xi32, #tpu.memory_space<vmem>>
      %dma_wait3A_1008 = arith.constant 0 : i32
      %dma_wait3A_1009 = tpu.memref_slice %arg2[%dma_wait3A_1008] : memref<819200xi32, #tpu.memory_space<hbm>> -> memref<400xi32, #tpu.memory_space<hbm>>
      %dma_wait3A_1010 = arith.constant 0 : i32
      %dma_wait3A_1011 = tpu.memref_slice %arg6[%dma_wait3A_1004, %dma_wait3A_1010] : memref<4x400xi32, #tpu.memory_space<vmem>> -> memref<1x400xi32, #tpu.memory_space<vmem>>
      %dma_wait3A_1012 = tpu.memref_squeeze %dma_wait3A_1011 : memref<1x400xi32, #tpu.memory_space<vmem>> -> memref<400xi32, #tpu.memory_space<vmem>>
      %dma_wait3A_1013 = arith.constant 0 : i32
      %dma_wait3A_1014 = tpu.memref_slice %arg2[%dma_wait3A_1013] : memref<819200xi32, #tpu.memory_space<hbm>> -> memref<400xi32, #tpu.memory_space<hbm>>
      tpu.wait_dma2 semaphore(%arg9 : memref<!tpu.dma_semaphore, #tpu.memory_space<semaphore_mem>>) src(%dma_wait3A_1014 : memref<400xi32, #tpu.memory_space<hbm>>) dst(%dma_wait3A_1012 : memref<400xi32, #tpu.memory_space<vmem>>)
      %dma_wait3A_1015 = arith.constant 0 : i32
      %dma_wait3A_1016 = arith.constant 0 : i32
      %dma_wait3A_1017 = arith.constant 0 : i32
      %dma_wait3A_1018 = tpu.memref_slice %arg7[%dma_wait3A_1015, %dma_wait3A_1016, %dma_wait3A_1017] : memref<4x400x64xf32, #tpu.memory_space<vmem>> -> memref<1x400x64xf32, #tpu.memory_space<vmem>>
      %dma_wait3A_1019 = tpu.memref_squeeze %dma_wait3A_1018 : memref<1x400x64xf32, #tpu.memory_space<vmem>> -> memref<400x64xf32, #tpu.memory_space<vmem>>
      %dma_wait3A_1020 = arith.constant 0 : i32
      %dma_wait3A_1021 = arith.constant 0 : i32
      %dma_wait3A_1022 = tpu.memref_slice %arg7[%dma_wait3A_1015, %dma_wait3A_1020, %dma_wait3A_1021] : memref<4x400x64xf32, #tpu.memory_space<vmem>> -> memref<1x400x64xf32, #tpu.memory_space<vmem>>
      %dma_wait3A_1023 = tpu.memref_squeeze %dma_wait3A_1022 : memref<1x400x64xf32, #tpu.memory_space<vmem>> -> memref<400x64xf32, #tpu.memory_space<vmem>>
      tpu.wait_dma2 semaphore(%arg13 : memref<!tpu.dma_semaphore, #tpu.memory_space<semaphore_mem>>) src(%arg8 : memref<400x64xf32, #tpu.memory_space<vmem_shared>>) dst(%dma_wait3A_1023 : memref<400x64xf32, #tpu.memory_space<vmem>>)
      %dma_start3A_1024 = arith.constant 0 : i32
      %dma_start3A_1025 = arith.constant 0 : i32
      %dma_start3A_1026 = arith.constant 0 : i32
      %dma_start3A_1027 = arith.constant 0 : i32
      %dma_start3A_1028 = tpu.memref_slice %arg7[%dma_start3A_1025, %dma_start3A_1026, %dma_start3A_1027] : memref<4x400x64xf32, #tpu.memory_space<vmem>> -> memref<1x400x64xf32, #tpu.memory_space<vmem>>
      %dma_start3A_1029 = tpu.memref_squeeze %dma_start3A_1028 : memref<1x400x64xf32, #tpu.memory_space<vmem>> -> memref<400x64xf32, #tpu.memory_space<vmem>>
      %dma_start3A_1030 = arith.constant 0 : i32
      %dma_start3A_1031 = tpu.memref_slice %arg6[%dma_start3A_1024, %dma_start3A_1030] : memref<4x400xi32, #tpu.memory_space<vmem>> -> memref<1x400xi32, #tpu.memory_space<vmem>>
      %dma_start3A_1032 = tpu.memref_squeeze %dma_start3A_1031 : memref<1x400xi32, #tpu.memory_space<vmem>> -> memref<400xi32, #tpu.memory_space<vmem>>
      %dma_start3A_1033 = arith.constant 0 : i32
      %dma_start3A_1034 = arith.constant 0 : i32
      %dma_start3A_1035 = tpu.memref_slice %arg3[%dma_start3A_1033, %dma_start3A_1034] : memref<1000000x64xf32, #tpu.memory_space<hbm>> -> memref<1000000x64xf32, #tpu.memory_space<hbm>>
      tpu.enqueue_indirect_dma source(%dma_start3A_1035 : memref<1000000x64xf32, #tpu.memory_space<hbm>>) target(%dma_start3A_1029 : memref<400x64xf32, #tpu.memory_space<vmem>>) offsets(%dma_start3A_1032 : memref<400xi32, #tpu.memory_space<vmem>>) semaphore(%arg17 : memref<!tpu.dma_semaphore, #tpu.memory_space<semaphore_mem>>) {add = true}
      %dma_wait3A_1036 = arith.constant 2 : i32
      %dma_wait3A_1037 = arith.constant 2 : i32
      %dma_wait3A_1038 = arith.constant 0 : i32
      %dma_wait3A_1039 = arith.constant 0 : i32
      %dma_wait3A_1040 = tpu.memref_slice %arg7[%dma_wait3A_1037, %dma_wait3A_1038, %dma_wait3A_1039] : memref<4x400x64xf32, #tpu.memory_space<vmem>> -> memref<1x400x64xf32, #tpu.memory_space<vmem>>
      %dma_wait3A_1041 = tpu.memref_squeeze %dma_wait3A_1040 : memref<1x400x64xf32, #tpu.memory_space<vmem>> -> memref<400x64xf32, #tpu.memory_space<vmem>>
      %dma_wait3A_1042 = arith.constant 0 : i32
      %dma_wait3A_1043 = tpu.memref_slice %arg6[%dma_wait3A_1036, %dma_wait3A_1042] : memref<4x400xi32, #tpu.memory_space<vmem>> -> memref<1x400xi32, #tpu.memory_space<vmem>>
      %dma_wait3A_1044 = tpu.memref_squeeze %dma_wait3A_1043 : memref<1x400xi32, #tpu.memory_space<vmem>> -> memref<400xi32, #tpu.memory_space<vmem>>
      %dma_wait3A_1045 = arith.constant 0 : i32
      %dma_wait3A_1046 = arith.constant 0 : i32
      %dma_wait3A_1047 = tpu.memref_slice %arg3[%dma_wait3A_1045, %dma_wait3A_1046] : memref<1000000x64xf32, #tpu.memory_space<hbm>> -> memref<1000000x64xf32, #tpu.memory_space<hbm>>
      tpu.wait_indirect_dma semaphore(%arg19 : memref<!tpu.dma_semaphore, #tpu.memory_space<semaphore_mem>>) src(%dma_wait3A_1047 : memref<1000000x64xf32, #tpu.memory_space<hbm>>) dst(%dma_wait3A_1041 : memref<400x64xf32, #tpu.memory_space<vmem>>)
      %mul3A_1048 = arith.constant 400 : i32
      %mul3A_1049 = arith.muli %add3A_965, %mul3A_1048 : i32
      %add3A_1050 = arith.addi %mul3A_2, %mul3A_1049 : i32
      %dma_start3A_1051 = arith.constant 2 : i32
      %dma_start3A_1052 = arith.constant 0 : i32
      %dma_start3A_1053 = arith.constant 0 : i32
      %dma_start3A_1054 = tpu.memref_slice %arg7[%dma_start3A_1051, %dma_start3A_1052, %dma_start3A_1053] : memref<4x400x64xf32, #tpu.memory_space<vmem>> -> memref<1x400x64xf32, #tpu.memory_space<vmem>>
      %dma_start3A_1055 = tpu.memref_squeeze %dma_start3A_1054 : memref<1x400x64xf32, #tpu.memory_space<vmem>> -> memref<400x64xf32, #tpu.memory_space<vmem>>
      %dma_start3A_1056 = arith.constant 0 : i32
      %dma_start3A_1057 = tpu.memref_slice %arg5[%add3A_1050, %dma_start3A_1056] : memref<819200x64xf32, #tpu.memory_space<hbm>> -> memref<400x64xf32, #tpu.memory_space<hbm>>
      %dma_start3A_1058 = arith.constant 0 : i32
      %dma_start3A_1059 = tpu.memref_slice %arg5[%add3A_1050, %dma_start3A_1058] : memref<819200x64xf32, #tpu.memory_space<hbm>> -> memref<400x64xf32, #tpu.memory_space<hbm>>
      %dma_start3A_1060 = arith.constant 0 : i32
      %dma_start3A_1061 = arith.constant 0 : i32
      %dma_start3A_1062 = tpu.memref_slice %arg7[%dma_start3A_1051, %dma_start3A_1060, %dma_start3A_1061] : memref<4x400x64xf32, #tpu.memory_space<vmem>> -> memref<1x400x64xf32, #tpu.memory_space<vmem>>
      %dma_start3A_1063 = tpu.memref_squeeze %dma_start3A_1062 : memref<1x400x64xf32, #tpu.memory_space<vmem>> -> memref<400x64xf32, #tpu.memory_space<vmem>>
      tpu.enqueue_dma source(%dma_start3A_1063 : memref<400x64xf32, #tpu.memory_space<vmem>>) target(%dma_start3A_1059 : memref<400x64xf32, #tpu.memory_space<hbm>>) target_semaphore(%arg23 : memref<!tpu.dma_semaphore, #tpu.memory_space<semaphore_mem>>)
      %add3A_1064 = arith.constant 3 : i32
      %add3A_1065 = arith.addi %add3A_763, %add3A_1064 : i32
      %dma_wait3A_1066 = arith.constant 1 : i32
      %dma_wait3A_1067 = arith.constant 0 : i32
      %dma_wait3A_1068 = arith.constant 0 : i32
      %dma_wait3A_1069 = tpu.memref_slice %arg7[%dma_wait3A_1066, %dma_wait3A_1067, %dma_wait3A_1068] : memref<4x400x64xf32, #tpu.memory_space<vmem>> -> memref<1x400x64xf32, #tpu.memory_space<vmem>>
      %dma_wait3A_1070 = tpu.memref_squeeze %dma_wait3A_1069 : memref<1x400x64xf32, #tpu.memory_space<vmem>> -> memref<400x64xf32, #tpu.memory_space<vmem>>
      %dma_wait3A_1071 = arith.constant 0 : i32
      %dma_wait3A_1072 = arith.constant 0 : i32
      %dma_wait3A_1073 = tpu.memref_slice %arg5[%dma_wait3A_1071, %dma_wait3A_1072] : memref<819200x64xf32, #tpu.memory_space<hbm>> -> memref<400x64xf32, #tpu.memory_space<hbm>>
      %dma_wait3A_1074 = arith.constant 0 : i32
      %dma_wait3A_1075 = arith.constant 0 : i32
      %dma_wait3A_1076 = tpu.memref_slice %arg5[%dma_wait3A_1074, %dma_wait3A_1075] : memref<819200x64xf32, #tpu.memory_space<hbm>> -> memref<400x64xf32, #tpu.memory_space<hbm>>
      %dma_wait3A_1077 = arith.constant 0 : i32
      %dma_wait3A_1078 = arith.constant 0 : i32
      %dma_wait3A_1079 = tpu.memref_slice %arg7[%dma_wait3A_1066, %dma_wait3A_1077, %dma_wait3A_1078] : memref<4x400x64xf32, #tpu.memory_space<vmem>> -> memref<1x400x64xf32, #tpu.memory_space<vmem>>
      %dma_wait3A_1080 = tpu.memref_squeeze %dma_wait3A_1079 : memref<1x400x64xf32, #tpu.memory_space<vmem>> -> memref<400x64xf32, #tpu.memory_space<vmem>>
      tpu.wait_dma2 semaphore(%arg22 : memref<!tpu.dma_semaphore, #tpu.memory_space<semaphore_mem>>) src(%dma_wait3A_1080 : memref<400x64xf32, #tpu.memory_space<vmem>>) dst(%dma_wait3A_1076 : memref<400x64xf32, #tpu.memory_space<hbm>>)
      %dma_start3A_1081 = arith.constant 1 : i32
      %dma_start3A_1082 = arith.constant 0 : i32
      %dma_start3A_1083 = arith.constant 0 : i32
      %dma_start3A_1084 = tpu.memref_slice %arg7[%dma_start3A_1081, %dma_start3A_1082, %dma_start3A_1083] : memref<4x400x64xf32, #tpu.memory_space<vmem>> -> memref<1x400x64xf32, #tpu.memory_space<vmem>>
      %dma_start3A_1085 = tpu.memref_squeeze %dma_start3A_1084 : memref<1x400x64xf32, #tpu.memory_space<vmem>> -> memref<400x64xf32, #tpu.memory_space<vmem>>
      %dma_start3A_1086 = arith.constant 0 : i32
      %dma_start3A_1087 = arith.constant 0 : i32
      %dma_start3A_1088 = tpu.memref_slice %arg7[%dma_start3A_1081, %dma_start3A_1086, %dma_start3A_1087] : memref<4x400x64xf32, #tpu.memory_space<vmem>> -> memref<1x400x64xf32, #tpu.memory_space<vmem>>
      %dma_start3A_1089 = tpu.memref_squeeze %dma_start3A_1088 : memref<1x400x64xf32, #tpu.memory_space<vmem>> -> memref<400x64xf32, #tpu.memory_space<vmem>>
      tpu.enqueue_dma source(%arg8 : memref<400x64xf32, #tpu.memory_space<vmem_shared>>) target(%dma_start3A_1089 : memref<400x64xf32, #tpu.memory_space<vmem>>) target_semaphore(%arg14 : memref<!tpu.dma_semaphore, #tpu.memory_space<semaphore_mem>>)
      %add3A_1090 = arith.constant 3 : i32
      %add3A_1091 = arith.addi %add3A_1065, %add3A_1090 : i32
      %mul3A_1092 = arith.constant 400 : i32
      %mul3A_1093 = arith.muli %add3A_1091, %mul3A_1092 : i32
      %add3A_1094 = arith.addi %mul3A_2, %mul3A_1093 : i32
      %dma_start3A_1095 = arith.constant 2 : i32
      %dma_start3A_1096 = arith.constant 0 : i32
      %dma_start3A_1097 = tpu.memref_slice %arg6[%dma_start3A_1095, %dma_start3A_1096] : memref<4x400xi32, #tpu.memory_space<vmem>> -> memref<1x400xi32, #tpu.memory_space<vmem>>
      %dma_start3A_1098 = tpu.memref_squeeze %dma_start3A_1097 : memref<1x400xi32, #tpu.memory_space<vmem>> -> memref<400xi32, #tpu.memory_space<vmem>>
      %dma_start3A_1099 = tpu.memref_slice %arg2[%add3A_1094] : memref<819200xi32, #tpu.memory_space<hbm>> -> memref<400xi32, #tpu.memory_space<hbm>>
      %dma_start3A_1100 = arith.constant 0 : i32
      %dma_start3A_1101 = tpu.memref_slice %arg6[%dma_start3A_1095, %dma_start3A_1100] : memref<4x400xi32, #tpu.memory_space<vmem>> -> memref<1x400xi32, #tpu.memory_space<vmem>>
      %dma_start3A_1102 = tpu.memref_squeeze %dma_start3A_1101 : memref<1x400xi32, #tpu.memory_space<vmem>> -> memref<400xi32, #tpu.memory_space<vmem>>
      %dma_start3A_1103 = tpu.memref_slice %arg2[%add3A_1094] : memref<819200xi32, #tpu.memory_space<hbm>> -> memref<400xi32, #tpu.memory_space<hbm>>
      tpu.enqueue_dma source(%dma_start3A_1103 : memref<400xi32, #tpu.memory_space<hbm>>) target(%dma_start3A_1102 : memref<400xi32, #tpu.memory_space<vmem>>) target_semaphore(%arg11 : memref<!tpu.dma_semaphore, #tpu.memory_space<semaphore_mem>>)
      %dma_wait3A_1104 = arith.constant 1 : i32
      %dma_wait3A_1105 = arith.constant 0 : i32
      %dma_wait3A_1106 = tpu.memref_slice %arg6[%dma_wait3A_1104, %dma_wait3A_1105] : memref<4x400xi32, #tpu.memory_space<vmem>> -> memref<1x400xi32, #tpu.memory_space<vmem>>
      %dma_wait3A_1107 = tpu.memref_squeeze %dma_wait3A_1106 : memref<1x400xi32, #tpu.memory_space<vmem>> -> memref<400xi32, #tpu.memory_space<vmem>>
      %dma_wait3A_1108 = arith.constant 0 : i32
      %dma_wait3A_1109 = tpu.memref_slice %arg2[%dma_wait3A_1108] : memref<819200xi32, #tpu.memory_space<hbm>> -> memref<400xi32, #tpu.memory_space<hbm>>
      %dma_wait3A_1110 = arith.constant 0 : i32
      %dma_wait3A_1111 = tpu.memref_slice %arg6[%dma_wait3A_1104, %dma_wait3A_1110] : memref<4x400xi32, #tpu.memory_space<vmem>> -> memref<1x400xi32, #tpu.memory_space<vmem>>
      %dma_wait3A_1112 = tpu.memref_squeeze %dma_wait3A_1111 : memref<1x400xi32, #tpu.memory_space<vmem>> -> memref<400xi32, #tpu.memory_space<vmem>>
      %dma_wait3A_1113 = arith.constant 0 : i32
      %dma_wait3A_1114 = tpu.memref_slice %arg2[%dma_wait3A_1113] : memref<819200xi32, #tpu.memory_space<hbm>> -> memref<400xi32, #tpu.memory_space<hbm>>
      tpu.wait_dma2 semaphore(%arg10 : memref<!tpu.dma_semaphore, #tpu.memory_space<semaphore_mem>>) src(%dma_wait3A_1114 : memref<400xi32, #tpu.memory_space<hbm>>) dst(%dma_wait3A_1112 : memref<400xi32, #tpu.memory_space<vmem>>)
      %dma_wait3A_1115 = arith.constant 1 : i32
      %dma_wait3A_1116 = arith.constant 0 : i32
      %dma_wait3A_1117 = arith.constant 0 : i32
      %dma_wait3A_1118 = tpu.memref_slice %arg7[%dma_wait3A_1115, %dma_wait3A_1116, %dma_wait3A_1117] : memref<4x400x64xf32, #tpu.memory_space<vmem>> -> memref<1x400x64xf32, #tpu.memory_space<vmem>>
      %dma_wait3A_1119 = tpu.memref_squeeze %dma_wait3A_1118 : memref<1x400x64xf32, #tpu.memory_space<vmem>> -> memref<400x64xf32, #tpu.memory_space<vmem>>
      %dma_wait3A_1120 = arith.constant 0 : i32
      %dma_wait3A_1121 = arith.constant 0 : i32
      %dma_wait3A_1122 = tpu.memref_slice %arg7[%dma_wait3A_1115, %dma_wait3A_1120, %dma_wait3A_1121] : memref<4x400x64xf32, #tpu.memory_space<vmem>> -> memref<1x400x64xf32, #tpu.memory_space<vmem>>
      %dma_wait3A_1123 = tpu.memref_squeeze %dma_wait3A_1122 : memref<1x400x64xf32, #tpu.memory_space<vmem>> -> memref<400x64xf32, #tpu.memory_space<vmem>>
      tpu.wait_dma2 semaphore(%arg14 : memref<!tpu.dma_semaphore, #tpu.memory_space<semaphore_mem>>) src(%arg8 : memref<400x64xf32, #tpu.memory_space<vmem_shared>>) dst(%dma_wait3A_1123 : memref<400x64xf32, #tpu.memory_space<vmem>>)
      %dma_start3A_1124 = arith.constant 1 : i32
      %dma_start3A_1125 = arith.constant 1 : i32
      %dma_start3A_1126 = arith.constant 0 : i32
      %dma_start3A_1127 = arith.constant 0 : i32
      %dma_start3A_1128 = tpu.memref_slice %arg7[%dma_start3A_1125, %dma_start3A_1126, %dma_start3A_1127] : memref<4x400x64xf32, #tpu.memory_space<vmem>> -> memref<1x400x64xf32, #tpu.memory_space<vmem>>
      %dma_start3A_1129 = tpu.memref_squeeze %dma_start3A_1128 : memref<1x400x64xf32, #tpu.memory_space<vmem>> -> memref<400x64xf32, #tpu.memory_space<vmem>>
      %dma_start3A_1130 = arith.constant 0 : i32
      %dma_start3A_1131 = tpu.memref_slice %arg6[%dma_start3A_1124, %dma_start3A_1130] : memref<4x400xi32, #tpu.memory_space<vmem>> -> memref<1x400xi32, #tpu.memory_space<vmem>>
      %dma_start3A_1132 = tpu.memref_squeeze %dma_start3A_1131 : memref<1x400xi32, #tpu.memory_space<vmem>> -> memref<400xi32, #tpu.memory_space<vmem>>
      %dma_start3A_1133 = arith.constant 0 : i32
      %dma_start3A_1134 = arith.constant 0 : i32
      %dma_start3A_1135 = tpu.memref_slice %arg3[%dma_start3A_1133, %dma_start3A_1134] : memref<1000000x64xf32, #tpu.memory_space<hbm>> -> memref<1000000x64xf32, #tpu.memory_space<hbm>>
      tpu.enqueue_indirect_dma source(%dma_start3A_1135 : memref<1000000x64xf32, #tpu.memory_space<hbm>>) target(%dma_start3A_1129 : memref<400x64xf32, #tpu.memory_space<vmem>>) offsets(%dma_start3A_1132 : memref<400xi32, #tpu.memory_space<vmem>>) semaphore(%arg18 : memref<!tpu.dma_semaphore, #tpu.memory_space<semaphore_mem>>) {add = true}
      %dma_wait3A_1136 = arith.constant 3 : i32
      %dma_wait3A_1137 = arith.constant 3 : i32
      %dma_wait3A_1138 = arith.constant 0 : i32
      %dma_wait3A_1139 = arith.constant 0 : i32
      %dma_wait3A_1140 = tpu.memref_slice %arg7[%dma_wait3A_1137, %dma_wait3A_1138, %dma_wait3A_1139] : memref<4x400x64xf32, #tpu.memory_space<vmem>> -> memref<1x400x64xf32, #tpu.memory_space<vmem>>
      %dma_wait3A_1141 = tpu.memref_squeeze %dma_wait3A_1140 : memref<1x400x64xf32, #tpu.memory_space<vmem>> -> memref<400x64xf32, #tpu.memory_space<vmem>>
      %dma_wait3A_1142 = arith.constant 0 : i32
      %dma_wait3A_1143 = tpu.memref_slice %arg6[%dma_wait3A_1136, %dma_wait3A_1142] : memref<4x400xi32, #tpu.memory_space<vmem>> -> memref<1x400xi32, #tpu.memory_space<vmem>>
      %dma_wait3A_1144 = tpu.memref_squeeze %dma_wait3A_1143 : memref<1x400xi32, #tpu.memory_space<vmem>> -> memref<400xi32, #tpu.memory_space<vmem>>
      %dma_wait3A_1145 = arith.constant 0 : i32
      %dma_wait3A_1146 = arith.constant 0 : i32
      %dma_wait3A_1147 = tpu.memref_slice %arg3[%dma_wait3A_1145, %dma_wait3A_1146] : memref<1000000x64xf32, #tpu.memory_space<hbm>> -> memref<1000000x64xf32, #tpu.memory_space<hbm>>
      tpu.wait_indirect_dma semaphore(%arg20 : memref<!tpu.dma_semaphore, #tpu.memory_space<semaphore_mem>>) src(%dma_wait3A_1147 : memref<1000000x64xf32, #tpu.memory_space<hbm>>) dst(%dma_wait3A_1141 : memref<400x64xf32, #tpu.memory_space<vmem>>)
      %mul3A_1148 = arith.constant 400 : i32
      %mul3A_1149 = arith.muli %add3A_1065, %mul3A_1148 : i32
      %add3A_1150 = arith.addi %mul3A_2, %mul3A_1149 : i32
      %dma_start3A_1151 = arith.constant 3 : i32
      %dma_start3A_1152 = arith.constant 0 : i32
      %dma_start3A_1153 = arith.constant 0 : i32
      %dma_start3A_1154 = tpu.memref_slice %arg7[%dma_start3A_1151, %dma_start3A_1152, %dma_start3A_1153] : memref<4x400x64xf32, #tpu.memory_space<vmem>> -> memref<1x400x64xf32, #tpu.memory_space<vmem>>
      %dma_start3A_1155 = tpu.memref_squeeze %dma_start3A_1154 : memref<1x400x64xf32, #tpu.memory_space<vmem>> -> memref<400x64xf32, #tpu.memory_space<vmem>>
      %dma_start3A_1156 = arith.constant 0 : i32
      %dma_start3A_1157 = tpu.memref_slice %arg5[%add3A_1150, %dma_start3A_1156] : memref<819200x64xf32, #tpu.memory_space<hbm>> -> memref<400x64xf32, #tpu.memory_space<hbm>>
      %dma_start3A_1158 = arith.constant 0 : i32
      %dma_start3A_1159 = tpu.memref_slice %arg5[%add3A_1150, %dma_start3A_1158] : memref<819200x64xf32, #tpu.memory_space<hbm>> -> memref<400x64xf32, #tpu.memory_space<hbm>>
      %dma_start3A_1160 = arith.constant 0 : i32
      %dma_start3A_1161 = arith.constant 0 : i32
      %dma_start3A_1162 = tpu.memref_slice %arg7[%dma_start3A_1151, %dma_start3A_1160, %dma_start3A_1161] : memref<4x400x64xf32, #tpu.memory_space<vmem>> -> memref<1x400x64xf32, #tpu.memory_space<vmem>>
      %dma_start3A_1163 = tpu.memref_squeeze %dma_start3A_1162 : memref<1x400x64xf32, #tpu.memory_space<vmem>> -> memref<400x64xf32, #tpu.memory_space<vmem>>
      tpu.enqueue_dma source(%dma_start3A_1163 : memref<400x64xf32, #tpu.memory_space<vmem>>) target(%dma_start3A_1159 : memref<400x64xf32, #tpu.memory_space<hbm>>) target_semaphore(%arg24 : memref<!tpu.dma_semaphore, #tpu.memory_space<semaphore_mem>>)
    }
    %scan3A_467 = arith.constant 14 : i32
    %dma_wait3A_468 = arith.constant 2 : i32
    %dma_wait3A_469 = arith.constant 0 : i32
    %dma_wait3A_470 = arith.constant 0 : i32
    %dma_wait3A_471 = tpu.memref_slice %arg7[%dma_wait3A_468, %dma_wait3A_469, %dma_wait3A_470] : memref<4x400x64xf32, #tpu.memory_space<vmem>> -> memref<1x400x64xf32, #tpu.memory_space<vmem>>
    %dma_wait3A_472 = tpu.memref_squeeze %dma_wait3A_471 : memref<1x400x64xf32, #tpu.memory_space<vmem>> -> memref<400x64xf32, #tpu.memory_space<vmem>>
    %dma_wait3A_473 = arith.constant 0 : i32
    %dma_wait3A_474 = arith.constant 0 : i32
    %dma_wait3A_475 = tpu.memref_slice %arg5[%dma_wait3A_473, %dma_wait3A_474] : memref<819200x64xf32, #tpu.memory_space<hbm>> -> memref<400x64xf32, #tpu.memory_space<hbm>>
    %dma_wait3A_476 = arith.constant 0 : i32
    %dma_wait3A_477 = arith.constant 0 : i32
    %dma_wait3A_478 = tpu.memref_slice %arg5[%dma_wait3A_476, %dma_wait3A_477] : memref<819200x64xf32, #tpu.memory_space<hbm>> -> memref<400x64xf32, #tpu.memory_space<hbm>>
    %dma_wait3A_479 = arith.constant 0 : i32
    %dma_wait3A_480 = arith.constant 0 : i32
    %dma_wait3A_481 = tpu.memref_slice %arg7[%dma_wait3A_468, %dma_wait3A_479, %dma_wait3A_480] : memref<4x400x64xf32, #tpu.memory_space<vmem>> -> memref<1x400x64xf32, #tpu.memory_space<vmem>>
    %dma_wait3A_482 = tpu.memref_squeeze %dma_wait3A_481 : memref<1x400x64xf32, #tpu.memory_space<vmem>> -> memref<400x64xf32, #tpu.memory_space<vmem>>
    tpu.wait_dma2 semaphore(%arg23 : memref<!tpu.dma_semaphore, #tpu.memory_space<semaphore_mem>>) src(%dma_wait3A_482 : memref<400x64xf32, #tpu.memory_space<vmem>>) dst(%dma_wait3A_478 : memref<400x64xf32, #tpu.memory_space<hbm>>)
    %dma_start3A_483 = arith.constant 2 : i32
    %dma_start3A_484 = arith.constant 0 : i32
    %dma_start3A_485 = arith.constant 0 : i32
    %dma_start3A_486 = tpu.memref_slice %arg7[%dma_start3A_483, %dma_start3A_484, %dma_start3A_485] : memref<4x400x64xf32, #tpu.memory_space<vmem>> -> memref<1x400x64xf32, #tpu.memory_space<vmem>>
    %dma_start3A_487 = tpu.memref_squeeze %dma_start3A_486 : memref<1x400x64xf32, #tpu.memory_space<vmem>> -> memref<400x64xf32, #tpu.memory_space<vmem>>
    %dma_start3A_488 = arith.constant 0 : i32
    %dma_start3A_489 = arith.constant 0 : i32
    %dma_start3A_490 = tpu.memref_slice %arg7[%dma_start3A_483, %dma_start3A_488, %dma_start3A_489] : memref<4x400x64xf32, #tpu.memory_space<vmem>> -> memref<1x400x64xf32, #tpu.memory_space<vmem>>
    %dma_start3A_491 = tpu.memref_squeeze %dma_start3A_490 : memref<1x400x64xf32, #tpu.memory_space<vmem>> -> memref<400x64xf32, #tpu.memory_space<vmem>>
    tpu.enqueue_dma source(%arg8 : memref<400x64xf32, #tpu.memory_space<vmem_shared>>) target(%dma_start3A_491 : memref<400x64xf32, #tpu.memory_space<vmem>>) target_semaphore(%arg15 : memref<!tpu.dma_semaphore, #tpu.memory_space<semaphore_mem>>)
    %add3A_492 = arith.constant 25200 : i32
    %add3A_493 = arith.addi %mul3A_2, %add3A_492 : i32
    %dma_start3A_494 = arith.constant 3 : i32
    %dma_start3A_495 = arith.constant 0 : i32
    %dma_start3A_496 = tpu.memref_slice %arg6[%dma_start3A_494, %dma_start3A_495] : memref<4x400xi32, #tpu.memory_space<vmem>> -> memref<1x400xi32, #tpu.memory_space<vmem>>
    %dma_start3A_497 = tpu.memref_squeeze %dma_start3A_496 : memref<1x400xi32, #tpu.memory_space<vmem>> -> memref<400xi32, #tpu.memory_space<vmem>>
    %dma_start3A_498 = tpu.memref_slice %arg2[%add3A_493] : memref<819200xi32, #tpu.memory_space<hbm>> -> memref<400xi32, #tpu.memory_space<hbm>>
    %dma_start3A_499 = arith.constant 0 : i32
    %dma_start3A_500 = tpu.memref_slice %arg6[%dma_start3A_494, %dma_start3A_499] : memref<4x400xi32, #tpu.memory_space<vmem>> -> memref<1x400xi32, #tpu.memory_space<vmem>>
    %dma_start3A_501 = tpu.memref_squeeze %dma_start3A_500 : memref<1x400xi32, #tpu.memory_space<vmem>> -> memref<400xi32, #tpu.memory_space<vmem>>
    %dma_start3A_502 = tpu.memref_slice %arg2[%add3A_493] : memref<819200xi32, #tpu.memory_space<hbm>> -> memref<400xi32, #tpu.memory_space<hbm>>
    tpu.enqueue_dma source(%dma_start3A_502 : memref<400xi32, #tpu.memory_space<hbm>>) target(%dma_start3A_501 : memref<400xi32, #tpu.memory_space<vmem>>) target_semaphore(%arg12 : memref<!tpu.dma_semaphore, #tpu.memory_space<semaphore_mem>>)
    %dma_wait3A_503 = arith.constant 2 : i32
    %dma_wait3A_504 = arith.constant 0 : i32
    %dma_wait3A_505 = tpu.memref_slice %arg6[%dma_wait3A_503, %dma_wait3A_504] : memref<4x400xi32, #tpu.memory_space<vmem>> -> memref<1x400xi32, #tpu.memory_space<vmem>>
    %dma_wait3A_506 = tpu.memref_squeeze %dma_wait3A_505 : memref<1x400xi32, #tpu.memory_space<vmem>> -> memref<400xi32, #tpu.memory_space<vmem>>
    %dma_wait3A_507 = arith.constant 0 : i32
    %dma_wait3A_508 = tpu.memref_slice %arg2[%dma_wait3A_507] : memref<819200xi32, #tpu.memory_space<hbm>> -> memref<400xi32, #tpu.memory_space<hbm>>
    %dma_wait3A_509 = arith.constant 0 : i32
    %dma_wait3A_510 = tpu.memref_slice %arg6[%dma_wait3A_503, %dma_wait3A_509] : memref<4x400xi32, #tpu.memory_space<vmem>> -> memref<1x400xi32, #tpu.memory_space<vmem>>
    %dma_wait3A_511 = tpu.memref_squeeze %dma_wait3A_510 : memref<1x400xi32, #tpu.memory_space<vmem>> -> memref<400xi32, #tpu.memory_space<vmem>>
    %dma_wait3A_512 = arith.constant 0 : i32
    %dma_wait3A_513 = tpu.memref_slice %arg2[%dma_wait3A_512] : memref<819200xi32, #tpu.memory_space<hbm>> -> memref<400xi32, #tpu.memory_space<hbm>>
    tpu.wait_dma2 semaphore(%arg11 : memref<!tpu.dma_semaphore, #tpu.memory_space<semaphore_mem>>) src(%dma_wait3A_513 : memref<400xi32, #tpu.memory_space<hbm>>) dst(%dma_wait3A_511 : memref<400xi32, #tpu.memory_space<vmem>>)
    %dma_wait3A_514 = arith.constant 2 : i32
    %dma_wait3A_515 = arith.constant 0 : i32
    %dma_wait3A_516 = arith.constant 0 : i32
    %dma_wait3A_517 = tpu.memref_slice %arg7[%dma_wait3A_514, %dma_wait3A_515, %dma_wait3A_516] : memref<4x400x64xf32, #tpu.memory_space<vmem>> -> memref<1x400x64xf32, #tpu.memory_space<vmem>>
    %dma_wait3A_518 = tpu.memref_squeeze %dma_wait3A_517 : memref<1x400x64xf32, #tpu.memory_space<vmem>> -> memref<400x64xf32, #tpu.memory_space<vmem>>
    %dma_wait3A_519 = arith.constant 0 : i32
    %dma_wait3A_520 = arith.constant 0 : i32
    %dma_wait3A_521 = tpu.memref_slice %arg7[%dma_wait3A_514, %dma_wait3A_519, %dma_wait3A_520] : memref<4x400x64xf32, #tpu.memory_space<vmem>> -> memref<1x400x64xf32, #tpu.memory_space<vmem>>
    %dma_wait3A_522 = tpu.memref_squeeze %dma_wait3A_521 : memref<1x400x64xf32, #tpu.memory_space<vmem>> -> memref<400x64xf32, #tpu.memory_space<vmem>>
    tpu.wait_dma2 semaphore(%arg15 : memref<!tpu.dma_semaphore, #tpu.memory_space<semaphore_mem>>) src(%arg8 : memref<400x64xf32, #tpu.memory_space<vmem_shared>>) dst(%dma_wait3A_522 : memref<400x64xf32, #tpu.memory_space<vmem>>)
    %dma_start3A_523 = arith.constant 2 : i32
    %dma_start3A_524 = arith.constant 2 : i32
    %dma_start3A_525 = arith.constant 0 : i32
    %dma_start3A_526 = arith.constant 0 : i32
    %dma_start3A_527 = tpu.memref_slice %arg7[%dma_start3A_524, %dma_start3A_525, %dma_start3A_526] : memref<4x400x64xf32, #tpu.memory_space<vmem>> -> memref<1x400x64xf32, #tpu.memory_space<vmem>>
    %dma_start3A_528 = tpu.memref_squeeze %dma_start3A_527 : memref<1x400x64xf32, #tpu.memory_space<vmem>> -> memref<400x64xf32, #tpu.memory_space<vmem>>
    %dma_start3A_529 = arith.constant 0 : i32
    %dma_start3A_530 = tpu.memref_slice %arg6[%dma_start3A_523, %dma_start3A_529] : memref<4x400xi32, #tpu.memory_space<vmem>> -> memref<1x400xi32, #tpu.memory_space<vmem>>
    %dma_start3A_531 = tpu.memref_squeeze %dma_start3A_530 : memref<1x400xi32, #tpu.memory_space<vmem>> -> memref<400xi32, #tpu.memory_space<vmem>>
    %dma_start3A_532 = arith.constant 0 : i32
    %dma_start3A_533 = arith.constant 0 : i32
    %dma_start3A_534 = tpu.memref_slice %arg3[%dma_start3A_532, %dma_start3A_533] : memref<1000000x64xf32, #tpu.memory_space<hbm>> -> memref<1000000x64xf32, #tpu.memory_space<hbm>>
    tpu.enqueue_indirect_dma source(%dma_start3A_534 : memref<1000000x64xf32, #tpu.memory_space<hbm>>) target(%dma_start3A_528 : memref<400x64xf32, #tpu.memory_space<vmem>>) offsets(%dma_start3A_531 : memref<400xi32, #tpu.memory_space<vmem>>) semaphore(%arg19 : memref<!tpu.dma_semaphore, #tpu.memory_space<semaphore_mem>>) {add = true}
    %dma_wait3A_535 = arith.constant 0 : i32
    %dma_wait3A_536 = arith.constant 0 : i32
    %dma_wait3A_537 = arith.constant 0 : i32
    %dma_wait3A_538 = arith.constant 0 : i32
    %dma_wait3A_539 = tpu.memref_slice %arg7[%dma_wait3A_536, %dma_wait3A_537, %dma_wait3A_538] : memref<4x400x64xf32, #tpu.memory_space<vmem>> -> memref<1x400x64xf32, #tpu.memory_space<vmem>>
    %dma_wait3A_540 = tpu.memref_squeeze %dma_wait3A_539 : memref<1x400x64xf32, #tpu.memory_space<vmem>> -> memref<400x64xf32, #tpu.memory_space<vmem>>
    %dma_wait3A_541 = arith.constant 0 : i32
    %dma_wait3A_542 = tpu.memref_slice %arg6[%dma_wait3A_535, %dma_wait3A_541] : memref<4x400xi32, #tpu.memory_space<vmem>> -> memref<1x400xi32, #tpu.memory_space<vmem>>
    %dma_wait3A_543 = tpu.memref_squeeze %dma_wait3A_542 : memref<1x400xi32, #tpu.memory_space<vmem>> -> memref<400xi32, #tpu.memory_space<vmem>>
    %dma_wait3A_544 = arith.constant 0 : i32
    %dma_wait3A_545 = arith.constant 0 : i32
    %dma_wait3A_546 = tpu.memref_slice %arg3[%dma_wait3A_544, %dma_wait3A_545] : memref<1000000x64xf32, #tpu.memory_space<hbm>> -> memref<1000000x64xf32, #tpu.memory_space<hbm>>
    tpu.wait_indirect_dma semaphore(%arg17 : memref<!tpu.dma_semaphore, #tpu.memory_space<semaphore_mem>>) src(%dma_wait3A_546 : memref<1000000x64xf32, #tpu.memory_space<hbm>>) dst(%dma_wait3A_540 : memref<400x64xf32, #tpu.memory_space<vmem>>)
    %add3A_547 = arith.constant 24000 : i32
    %add3A_548 = arith.addi %mul3A_2, %add3A_547 : i32
    %dma_start3A_549 = arith.constant 0 : i32
    %dma_start3A_550 = arith.constant 0 : i32
    %dma_start3A_551 = arith.constant 0 : i32
    %dma_start3A_552 = tpu.memref_slice %arg7[%dma_start3A_549, %dma_start3A_550, %dma_start3A_551] : memref<4x400x64xf32, #tpu.memory_space<vmem>> -> memref<1x400x64xf32, #tpu.memory_space<vmem>>
    %dma_start3A_553 = tpu.memref_squeeze %dma_start3A_552 : memref<1x400x64xf32, #tpu.memory_space<vmem>> -> memref<400x64xf32, #tpu.memory_space<vmem>>
    %dma_start3A_554 = arith.constant 0 : i32
    %dma_start3A_555 = tpu.memref_slice %arg5[%add3A_548, %dma_start3A_554] : memref<819200x64xf32, #tpu.memory_space<hbm>> -> memref<400x64xf32, #tpu.memory_space<hbm>>
    %dma_start3A_556 = arith.constant 0 : i32
    %dma_start3A_557 = tpu.memref_slice %arg5[%add3A_548, %dma_start3A_556] : memref<819200x64xf32, #tpu.memory_space<hbm>> -> memref<400x64xf32, #tpu.memory_space<hbm>>
    %dma_start3A_558 = arith.constant 0 : i32
    %dma_start3A_559 = arith.constant 0 : i32
    %dma_start3A_560 = tpu.memref_slice %arg7[%dma_start3A_549, %dma_start3A_558, %dma_start3A_559] : memref<4x400x64xf32, #tpu.memory_space<vmem>> -> memref<1x400x64xf32, #tpu.memory_space<vmem>>
    %dma_start3A_561 = tpu.memref_squeeze %dma_start3A_560 : memref<1x400x64xf32, #tpu.memory_space<vmem>> -> memref<400x64xf32, #tpu.memory_space<vmem>>
    tpu.enqueue_dma source(%dma_start3A_561 : memref<400x64xf32, #tpu.memory_space<vmem>>) target(%dma_start3A_557 : memref<400x64xf32, #tpu.memory_space<hbm>>) target_semaphore(%arg21 : memref<!tpu.dma_semaphore, #tpu.memory_space<semaphore_mem>>)
    %dma_wait3A_562 = arith.constant 3 : i32
    %dma_wait3A_563 = arith.constant 0 : i32
    %dma_wait3A_564 = arith.constant 0 : i32
    %dma_wait3A_565 = tpu.memref_slice %arg7[%dma_wait3A_562, %dma_wait3A_563, %dma_wait3A_564] : memref<4x400x64xf32, #tpu.memory_space<vmem>> -> memref<1x400x64xf32, #tpu.memory_space<vmem>>
    %dma_wait3A_566 = tpu.memref_squeeze %dma_wait3A_565 : memref<1x400x64xf32, #tpu.memory_space<vmem>> -> memref<400x64xf32, #tpu.memory_space<vmem>>
    %dma_wait3A_567 = arith.constant 0 : i32
    %dma_wait3A_568 = arith.constant 0 : i32
    %dma_wait3A_569 = tpu.memref_slice %arg5[%dma_wait3A_567, %dma_wait3A_568] : memref<819200x64xf32, #tpu.memory_space<hbm>> -> memref<400x64xf32, #tpu.memory_space<hbm>>
    %dma_wait3A_570 = arith.constant 0 : i32
    %dma_wait3A_571 = arith.constant 0 : i32
    %dma_wait3A_572 = tpu.memref_slice %arg5[%dma_wait3A_570, %dma_wait3A_571] : memref<819200x64xf32, #tpu.memory_space<hbm>> -> memref<400x64xf32, #tpu.memory_space<hbm>>
    %dma_wait3A_573 = arith.constant 0 : i32
    %dma_wait3A_574 = arith.constant 0 : i32
    %dma_wait3A_575 = tpu.memref_slice %arg7[%dma_wait3A_562, %dma_wait3A_573, %dma_wait3A_574] : memref<4x400x64xf32, #tpu.memory_space<vmem>> -> memref<1x400x64xf32, #tpu.memory_space<vmem>>
    %dma_wait3A_576 = tpu.memref_squeeze %dma_wait3A_575 : memref<1x400x64xf32, #tpu.memory_space<vmem>> -> memref<400x64xf32, #tpu.memory_space<vmem>>
    tpu.wait_dma2 semaphore(%arg24 : memref<!tpu.dma_semaphore, #tpu.memory_space<semaphore_mem>>) src(%dma_wait3A_576 : memref<400x64xf32, #tpu.memory_space<vmem>>) dst(%dma_wait3A_572 : memref<400x64xf32, #tpu.memory_space<hbm>>)
    %dma_start3A_577 = arith.constant 3 : i32
    %dma_start3A_578 = arith.constant 0 : i32
    %dma_start3A_579 = arith.constant 0 : i32
    %dma_start3A_580 = tpu.memref_slice %arg7[%dma_start3A_577, %dma_start3A_578, %dma_start3A_579] : memref<4x400x64xf32, #tpu.memory_space<vmem>> -> memref<1x400x64xf32, #tpu.memory_space<vmem>>
    %dma_start3A_581 = tpu.memref_squeeze %dma_start3A_580 : memref<1x400x64xf32, #tpu.memory_space<vmem>> -> memref<400x64xf32, #tpu.memory_space<vmem>>
    %dma_start3A_582 = arith.constant 0 : i32
    %dma_start3A_583 = arith.constant 0 : i32
    %dma_start3A_584 = tpu.memref_slice %arg7[%dma_start3A_577, %dma_start3A_582, %dma_start3A_583] : memref<4x400x64xf32, #tpu.memory_space<vmem>> -> memref<1x400x64xf32, #tpu.memory_space<vmem>>
    %dma_start3A_585 = tpu.memref_squeeze %dma_start3A_584 : memref<1x400x64xf32, #tpu.memory_space<vmem>> -> memref<400x64xf32, #tpu.memory_space<vmem>>
    tpu.enqueue_dma source(%arg8 : memref<400x64xf32, #tpu.memory_space<vmem_shared>>) target(%dma_start3A_585 : memref<400x64xf32, #tpu.memory_space<vmem>>) target_semaphore(%arg16 : memref<!tpu.dma_semaphore, #tpu.memory_space<semaphore_mem>>)
    %dma_wait3A_586 = arith.constant 3 : i32
    %dma_wait3A_587 = arith.constant 0 : i32
    %dma_wait3A_588 = tpu.memref_slice %arg6[%dma_wait3A_586, %dma_wait3A_587] : memref<4x400xi32, #tpu.memory_space<vmem>> -> memref<1x400xi32, #tpu.memory_space<vmem>>
    %dma_wait3A_589 = tpu.memref_squeeze %dma_wait3A_588 : memref<1x400xi32, #tpu.memory_space<vmem>> -> memref<400xi32, #tpu.memory_space<vmem>>
    %dma_wait3A_590 = arith.constant 0 : i32
    %dma_wait3A_591 = tpu.memref_slice %arg2[%dma_wait3A_590] : memref<819200xi32, #tpu.memory_space<hbm>> -> memref<400xi32, #tpu.memory_space<hbm>>
    %dma_wait3A_592 = arith.constant 0 : i32
    %dma_wait3A_593 = tpu.memref_slice %arg6[%dma_wait3A_586, %dma_wait3A_592] : memref<4x400xi32, #tpu.memory_space<vmem>> -> memref<1x400xi32, #tpu.memory_space<vmem>>
    %dma_wait3A_594 = tpu.memref_squeeze %dma_wait3A_593 : memref<1x400xi32, #tpu.memory_space<vmem>> -> memref<400xi32, #tpu.memory_space<vmem>>
    %dma_wait3A_595 = arith.constant 0 : i32
    %dma_wait3A_596 = tpu.memref_slice %arg2[%dma_wait3A_595] : memref<819200xi32, #tpu.memory_space<hbm>> -> memref<400xi32, #tpu.memory_space<hbm>>
    tpu.wait_dma2 semaphore(%arg12 : memref<!tpu.dma_semaphore, #tpu.memory_space<semaphore_mem>>) src(%dma_wait3A_596 : memref<400xi32, #tpu.memory_space<hbm>>) dst(%dma_wait3A_594 : memref<400xi32, #tpu.memory_space<vmem>>)
    %dma_wait3A_597 = arith.constant 3 : i32
    %dma_wait3A_598 = arith.constant 0 : i32
    %dma_wait3A_599 = arith.constant 0 : i32
    %dma_wait3A_600 = tpu.memref_slice %arg7[%dma_wait3A_597, %dma_wait3A_598, %dma_wait3A_599] : memref<4x400x64xf32, #tpu.memory_space<vmem>> -> memref<1x400x64xf32, #tpu.memory_space<vmem>>
    %dma_wait3A_601 = tpu.memref_squeeze %dma_wait3A_600 : memref<1x400x64xf32, #tpu.memory_space<vmem>> -> memref<400x64xf32, #tpu.memory_space<vmem>>
    %dma_wait3A_602 = arith.constant 0 : i32
    %dma_wait3A_603 = arith.constant 0 : i32
    %dma_wait3A_604 = tpu.memref_slice %arg7[%dma_wait3A_597, %dma_wait3A_602, %dma_wait3A_603] : memref<4x400x64xf32, #tpu.memory_space<vmem>> -> memref<1x400x64xf32, #tpu.memory_space<vmem>>
    %dma_wait3A_605 = tpu.memref_squeeze %dma_wait3A_604 : memref<1x400x64xf32, #tpu.memory_space<vmem>> -> memref<400x64xf32, #tpu.memory_space<vmem>>
    tpu.wait_dma2 semaphore(%arg16 : memref<!tpu.dma_semaphore, #tpu.memory_space<semaphore_mem>>) src(%arg8 : memref<400x64xf32, #tpu.memory_space<vmem_shared>>) dst(%dma_wait3A_605 : memref<400x64xf32, #tpu.memory_space<vmem>>)
    %dma_start3A_606 = arith.constant 3 : i32
    %dma_start3A_607 = arith.constant 3 : i32
    %dma_start3A_608 = arith.constant 0 : i32
    %dma_start3A_609 = arith.constant 0 : i32
    %dma_start3A_610 = tpu.memref_slice %arg7[%dma_start3A_607, %dma_start3A_608, %dma_start3A_609] : memref<4x400x64xf32, #tpu.memory_space<vmem>> -> memref<1x400x64xf32, #tpu.memory_space<vmem>>
    %dma_start3A_611 = tpu.memref_squeeze %dma_start3A_610 : memref<1x400x64xf32, #tpu.memory_space<vmem>> -> memref<400x64xf32, #tpu.memory_space<vmem>>
    %dma_start3A_612 = arith.constant 0 : i32
    %dma_start3A_613 = tpu.memref_slice %arg6[%dma_start3A_606, %dma_start3A_612] : memref<4x400xi32, #tpu.memory_space<vmem>> -> memref<1x400xi32, #tpu.memory_space<vmem>>
    %dma_start3A_614 = tpu.memref_squeeze %dma_start3A_613 : memref<1x400xi32, #tpu.memory_space<vmem>> -> memref<400xi32, #tpu.memory_space<vmem>>
    %dma_start3A_615 = arith.constant 0 : i32
    %dma_start3A_616 = arith.constant 0 : i32
    %dma_start3A_617 = tpu.memref_slice %arg3[%dma_start3A_615, %dma_start3A_616] : memref<1000000x64xf32, #tpu.memory_space<hbm>> -> memref<1000000x64xf32, #tpu.memory_space<hbm>>
    tpu.enqueue_indirect_dma source(%dma_start3A_617 : memref<1000000x64xf32, #tpu.memory_space<hbm>>) target(%dma_start3A_611 : memref<400x64xf32, #tpu.memory_space<vmem>>) offsets(%dma_start3A_614 : memref<400xi32, #tpu.memory_space<vmem>>) semaphore(%arg20 : memref<!tpu.dma_semaphore, #tpu.memory_space<semaphore_mem>>) {add = true}
    %dma_wait3A_618 = arith.constant 1 : i32
    %dma_wait3A_619 = arith.constant 1 : i32
    %dma_wait3A_620 = arith.constant 0 : i32
    %dma_wait3A_621 = arith.constant 0 : i32
    %dma_wait3A_622 = tpu.memref_slice %arg7[%dma_wait3A_619, %dma_wait3A_620, %dma_wait3A_621] : memref<4x400x64xf32, #tpu.memory_space<vmem>> -> memref<1x400x64xf32, #tpu.memory_space<vmem>>
    %dma_wait3A_623 = tpu.memref_squeeze %dma_wait3A_622 : memref<1x400x64xf32, #tpu.memory_space<vmem>> -> memref<400x64xf32, #tpu.memory_space<vmem>>
    %dma_wait3A_624 = arith.constant 0 : i32
    %dma_wait3A_625 = tpu.memref_slice %arg6[%dma_wait3A_618, %dma_wait3A_624] : memref<4x400xi32, #tpu.memory_space<vmem>> -> memref<1x400xi32, #tpu.memory_space<vmem>>
    %dma_wait3A_626 = tpu.memref_squeeze %dma_wait3A_625 : memref<1x400xi32, #tpu.memory_space<vmem>> -> memref<400xi32, #tpu.memory_space<vmem>>
    %dma_wait3A_627 = arith.constant 0 : i32
    %dma_wait3A_628 = arith.constant 0 : i32
    %dma_wait3A_629 = tpu.memref_slice %arg3[%dma_wait3A_627, %dma_wait3A_628] : memref<1000000x64xf32, #tpu.memory_space<hbm>> -> memref<1000000x64xf32, #tpu.memory_space<hbm>>
    tpu.wait_indirect_dma semaphore(%arg18 : memref<!tpu.dma_semaphore, #tpu.memory_space<semaphore_mem>>) src(%dma_wait3A_629 : memref<1000000x64xf32, #tpu.memory_space<hbm>>) dst(%dma_wait3A_623 : memref<400x64xf32, #tpu.memory_space<vmem>>)
    %add3A_630 = arith.constant 24400 : i32
    %add3A_631 = arith.addi %mul3A_2, %add3A_630 : i32
    %dma_start3A_632 = arith.constant 1 : i32
    %dma_start3A_633 = arith.constant 0 : i32
    %dma_start3A_634 = arith.constant 0 : i32
    %dma_start3A_635 = tpu.memref_slice %arg7[%dma_start3A_632, %dma_start3A_633, %dma_start3A_634] : memref<4x400x64xf32, #tpu.memory_space<vmem>> -> memref<1x400x64xf32, #tpu.memory_space<vmem>>
    %dma_start3A_636 = tpu.memref_squeeze %dma_start3A_635 : memref<1x400x64xf32, #tpu.memory_space<vmem>> -> memref<400x64xf32, #tpu.memory_space<vmem>>
    %dma_start3A_637 = arith.constant 0 : i32
    %dma_start3A_638 = tpu.memref_slice %arg5[%add3A_631, %dma_start3A_637] : memref<819200x64xf32, #tpu.memory_space<hbm>> -> memref<400x64xf32, #tpu.memory_space<hbm>>
    %dma_start3A_639 = arith.constant 0 : i32
    %dma_start3A_640 = tpu.memref_slice %arg5[%add3A_631, %dma_start3A_639] : memref<819200x64xf32, #tpu.memory_space<hbm>> -> memref<400x64xf32, #tpu.memory_space<hbm>>
    %dma_start3A_641 = arith.constant 0 : i32
    %dma_start3A_642 = arith.constant 0 : i32
    %dma_start3A_643 = tpu.memref_slice %arg7[%dma_start3A_632, %dma_start3A_641, %dma_start3A_642] : memref<4x400x64xf32, #tpu.memory_space<vmem>> -> memref<1x400x64xf32, #tpu.memory_space<vmem>>
    %dma_start3A_644 = tpu.memref_squeeze %dma_start3A_643 : memref<1x400x64xf32, #tpu.memory_space<vmem>> -> memref<400x64xf32, #tpu.memory_space<vmem>>
    tpu.enqueue_dma source(%dma_start3A_644 : memref<400x64xf32, #tpu.memory_space<vmem>>) target(%dma_start3A_640 : memref<400x64xf32, #tpu.memory_space<hbm>>) target_semaphore(%arg22 : memref<!tpu.dma_semaphore, #tpu.memory_space<semaphore_mem>>)
    %dma_wait3A_645 = arith.constant 0 : i32
    %dma_wait3A_646 = arith.constant 0 : i32
    %dma_wait3A_647 = arith.constant 0 : i32
    %dma_wait3A_648 = tpu.memref_slice %arg7[%dma_wait3A_645, %dma_wait3A_646, %dma_wait3A_647] : memref<4x400x64xf32, #tpu.memory_space<vmem>> -> memref<1x400x64xf32, #tpu.memory_space<vmem>>
    %dma_wait3A_649 = tpu.memref_squeeze %dma_wait3A_648 : memref<1x400x64xf32, #tpu.memory_space<vmem>> -> memref<400x64xf32, #tpu.memory_space<vmem>>
    %dma_wait3A_650 = arith.constant 0 : i32
    %dma_wait3A_651 = arith.constant 0 : i32
    %dma_wait3A_652 = tpu.memref_slice %arg5[%dma_wait3A_650, %dma_wait3A_651] : memref<819200x64xf32, #tpu.memory_space<hbm>> -> memref<400x64xf32, #tpu.memory_space<hbm>>
    %dma_wait3A_653 = arith.constant 0 : i32
    %dma_wait3A_654 = arith.constant 0 : i32
    %dma_wait3A_655 = tpu.memref_slice %arg5[%dma_wait3A_653, %dma_wait3A_654] : memref<819200x64xf32, #tpu.memory_space<hbm>> -> memref<400x64xf32, #tpu.memory_space<hbm>>
    %dma_wait3A_656 = arith.constant 0 : i32
    %dma_wait3A_657 = arith.constant 0 : i32
    %dma_wait3A_658 = tpu.memref_slice %arg7[%dma_wait3A_645, %dma_wait3A_656, %dma_wait3A_657] : memref<4x400x64xf32, #tpu.memory_space<vmem>> -> memref<1x400x64xf32, #tpu.memory_space<vmem>>
    %dma_wait3A_659 = tpu.memref_squeeze %dma_wait3A_658 : memref<1x400x64xf32, #tpu.memory_space<vmem>> -> memref<400x64xf32, #tpu.memory_space<vmem>>
    tpu.wait_dma2 semaphore(%arg21 : memref<!tpu.dma_semaphore, #tpu.memory_space<semaphore_mem>>) src(%dma_wait3A_659 : memref<400x64xf32, #tpu.memory_space<vmem>>) dst(%dma_wait3A_655 : memref<400x64xf32, #tpu.memory_space<hbm>>)
    %dma_wait3A_660 = arith.constant 2 : i32
    %dma_wait3A_661 = arith.constant 2 : i32
    %dma_wait3A_662 = arith.constant 0 : i32
    %dma_wait3A_663 = arith.constant 0 : i32
    %dma_wait3A_664 = tpu.memref_slice %arg7[%dma_wait3A_661, %dma_wait3A_662, %dma_wait3A_663] : memref<4x400x64xf32, #tpu.memory_space<vmem>> -> memref<1x400x64xf32, #tpu.memory_space<vmem>>
    %dma_wait3A_665 = tpu.memref_squeeze %dma_wait3A_664 : memref<1x400x64xf32, #tpu.memory_space<vmem>> -> memref<400x64xf32, #tpu.memory_space<vmem>>
    %dma_wait3A_666 = arith.constant 0 : i32
    %dma_wait3A_667 = tpu.memref_slice %arg6[%dma_wait3A_660, %dma_wait3A_666] : memref<4x400xi32, #tpu.memory_space<vmem>> -> memref<1x400xi32, #tpu.memory_space<vmem>>
    %dma_wait3A_668 = tpu.memref_squeeze %dma_wait3A_667 : memref<1x400xi32, #tpu.memory_space<vmem>> -> memref<400xi32, #tpu.memory_space<vmem>>
    %dma_wait3A_669 = arith.constant 0 : i32
    %dma_wait3A_670 = arith.constant 0 : i32
    %dma_wait3A_671 = tpu.memref_slice %arg3[%dma_wait3A_669, %dma_wait3A_670] : memref<1000000x64xf32, #tpu.memory_space<hbm>> -> memref<1000000x64xf32, #tpu.memory_space<hbm>>
    tpu.wait_indirect_dma semaphore(%arg19 : memref<!tpu.dma_semaphore, #tpu.memory_space<semaphore_mem>>) src(%dma_wait3A_671 : memref<1000000x64xf32, #tpu.memory_space<hbm>>) dst(%dma_wait3A_665 : memref<400x64xf32, #tpu.memory_space<vmem>>)
    %add3A_672 = arith.constant 24800 : i32
    %add3A_673 = arith.addi %mul3A_2, %add3A_672 : i32
    %dma_start3A_674 = arith.constant 2 : i32
    %dma_start3A_675 = arith.constant 0 : i32
    %dma_start3A_676 = arith.constant 0 : i32
    %dma_start3A_677 = tpu.memref_slice %arg7[%dma_start3A_674, %dma_start3A_675, %dma_start3A_676] : memref<4x400x64xf32, #tpu.memory_space<vmem>> -> memref<1x400x64xf32, #tpu.memory_space<vmem>>
    %dma_start3A_678 = tpu.memref_squeeze %dma_start3A_677 : memref<1x400x64xf32, #tpu.memory_space<vmem>> -> memref<400x64xf32, #tpu.memory_space<vmem>>
    %dma_start3A_679 = arith.constant 0 : i32
    %dma_start3A_680 = tpu.memref_slice %arg5[%add3A_673, %dma_start3A_679] : memref<819200x64xf32, #tpu.memory_space<hbm>> -> memref<400x64xf32, #tpu.memory_space<hbm>>
    %dma_start3A_681 = arith.constant 0 : i32
    %dma_start3A_682 = tpu.memref_slice %arg5[%add3A_673, %dma_start3A_681] : memref<819200x64xf32, #tpu.memory_space<hbm>> -> memref<400x64xf32, #tpu.memory_space<hbm>>
    %dma_start3A_683 = arith.constant 0 : i32
    %dma_start3A_684 = arith.constant 0 : i32
    %dma_start3A_685 = tpu.memref_slice %arg7[%dma_start3A_674, %dma_start3A_683, %dma_start3A_684] : memref<4x400x64xf32, #tpu.memory_space<vmem>> -> memref<1x400x64xf32, #tpu.memory_space<vmem>>
    %dma_start3A_686 = tpu.memref_squeeze %dma_start3A_685 : memref<1x400x64xf32, #tpu.memory_space<vmem>> -> memref<400x64xf32, #tpu.memory_space<vmem>>
    tpu.enqueue_dma source(%dma_start3A_686 : memref<400x64xf32, #tpu.memory_space<vmem>>) target(%dma_start3A_682 : memref<400x64xf32, #tpu.memory_space<hbm>>) target_semaphore(%arg23 : memref<!tpu.dma_semaphore, #tpu.memory_space<semaphore_mem>>)
    %dma_wait3A_687 = arith.constant 1 : i32
    %dma_wait3A_688 = arith.constant 0 : i32
    %dma_wait3A_689 = arith.constant 0 : i32
    %dma_wait3A_690 = tpu.memref_slice %arg7[%dma_wait3A_687, %dma_wait3A_688, %dma_wait3A_689] : memref<4x400x64xf32, #tpu.memory_space<vmem>> -> memref<1x400x64xf32, #tpu.memory_space<vmem>>
    %dma_wait3A_691 = tpu.memref_squeeze %dma_wait3A_690 : memref<1x400x64xf32, #tpu.memory_space<vmem>> -> memref<400x64xf32, #tpu.memory_space<vmem>>
    %dma_wait3A_692 = arith.constant 0 : i32
    %dma_wait3A_693 = arith.constant 0 : i32
    %dma_wait3A_694 = tpu.memref_slice %arg5[%dma_wait3A_692, %dma_wait3A_693] : memref<819200x64xf32, #tpu.memory_space<hbm>> -> memref<400x64xf32, #tpu.memory_space<hbm>>
    %dma_wait3A_695 = arith.constant 0 : i32
    %dma_wait3A_696 = arith.constant 0 : i32
    %dma_wait3A_697 = tpu.memref_slice %arg5[%dma_wait3A_695, %dma_wait3A_696] : memref<819200x64xf32, #tpu.memory_space<hbm>> -> memref<400x64xf32, #tpu.memory_space<hbm>>
    %dma_wait3A_698 = arith.constant 0 : i32
    %dma_wait3A_699 = arith.constant 0 : i32
    %dma_wait3A_700 = tpu.memref_slice %arg7[%dma_wait3A_687, %dma_wait3A_698, %dma_wait3A_699] : memref<4x400x64xf32, #tpu.memory_space<vmem>> -> memref<1x400x64xf32, #tpu.memory_space<vmem>>
    %dma_wait3A_701 = tpu.memref_squeeze %dma_wait3A_700 : memref<1x400x64xf32, #tpu.memory_space<vmem>> -> memref<400x64xf32, #tpu.memory_space<vmem>>
    tpu.wait_dma2 semaphore(%arg22 : memref<!tpu.dma_semaphore, #tpu.memory_space<semaphore_mem>>) src(%dma_wait3A_701 : memref<400x64xf32, #tpu.memory_space<vmem>>) dst(%dma_wait3A_697 : memref<400x64xf32, #tpu.memory_space<hbm>>)
    %dma_wait3A_702 = arith.constant 3 : i32
    %dma_wait3A_703 = arith.constant 3 : i32
    %dma_wait3A_704 = arith.constant 0 : i32
    %dma_wait3A_705 = arith.constant 0 : i32
    %dma_wait3A_706 = tpu.memref_slice %arg7[%dma_wait3A_703, %dma_wait3A_704, %dma_wait3A_705] : memref<4x400x64xf32, #tpu.memory_space<vmem>> -> memref<1x400x64xf32, #tpu.memory_space<vmem>>
    %dma_wait3A_707 = tpu.memref_squeeze %dma_wait3A_706 : memref<1x400x64xf32, #tpu.memory_space<vmem>> -> memref<400x64xf32, #tpu.memory_space<vmem>>
    %dma_wait3A_708 = arith.constant 0 : i32
    %dma_wait3A_709 = tpu.memref_slice %arg6[%dma_wait3A_702, %dma_wait3A_708] : memref<4x400xi32, #tpu.memory_space<vmem>> -> memref<1x400xi32, #tpu.memory_space<vmem>>
    %dma_wait3A_710 = tpu.memref_squeeze %dma_wait3A_709 : memref<1x400xi32, #tpu.memory_space<vmem>> -> memref<400xi32, #tpu.memory_space<vmem>>
    %dma_wait3A_711 = arith.constant 0 : i32
    %dma_wait3A_712 = arith.constant 0 : i32
    %dma_wait3A_713 = tpu.memref_slice %arg3[%dma_wait3A_711, %dma_wait3A_712] : memref<1000000x64xf32, #tpu.memory_space<hbm>> -> memref<1000000x64xf32, #tpu.memory_space<hbm>>
    tpu.wait_indirect_dma semaphore(%arg20 : memref<!tpu.dma_semaphore, #tpu.memory_space<semaphore_mem>>) src(%dma_wait3A_713 : memref<1000000x64xf32, #tpu.memory_space<hbm>>) dst(%dma_wait3A_707 : memref<400x64xf32, #tpu.memory_space<vmem>>)
    %add3A_714 = arith.constant 25200 : i32
    %add3A_715 = arith.addi %mul3A_2, %add3A_714 : i32
    %dma_start3A_716 = arith.constant 3 : i32
    %dma_start3A_717 = arith.constant 0 : i32
    %dma_start3A_718 = arith.constant 0 : i32
    %dma_start3A_719 = tpu.memref_slice %arg7[%dma_start3A_716, %dma_start3A_717, %dma_start3A_718] : memref<4x400x64xf32, #tpu.memory_space<vmem>> -> memref<1x400x64xf32, #tpu.memory_space<vmem>>
    %dma_start3A_720 = tpu.memref_squeeze %dma_start3A_719 : memref<1x400x64xf32, #tpu.memory_space<vmem>> -> memref<400x64xf32, #tpu.memory_space<vmem>>
    %dma_start3A_721 = arith.constant 0 : i32
    %dma_start3A_722 = tpu.memref_slice %arg5[%add3A_715, %dma_start3A_721] : memref<819200x64xf32, #tpu.memory_space<hbm>> -> memref<400x64xf32, #tpu.memory_space<hbm>>
    %dma_start3A_723 = arith.constant 0 : i32
    %dma_start3A_724 = tpu.memref_slice %arg5[%add3A_715, %dma_start3A_723] : memref<819200x64xf32, #tpu.memory_space<hbm>> -> memref<400x64xf32, #tpu.memory_space<hbm>>
    %dma_start3A_725 = arith.constant 0 : i32
    %dma_start3A_726 = arith.constant 0 : i32
    %dma_start3A_727 = tpu.memref_slice %arg7[%dma_start3A_716, %dma_start3A_725, %dma_start3A_726] : memref<4x400x64xf32, #tpu.memory_space<vmem>> -> memref<1x400x64xf32, #tpu.memory_space<vmem>>
    %dma_start3A_728 = tpu.memref_squeeze %dma_start3A_727 : memref<1x400x64xf32, #tpu.memory_space<vmem>> -> memref<400x64xf32, #tpu.memory_space<vmem>>
    tpu.enqueue_dma source(%dma_start3A_728 : memref<400x64xf32, #tpu.memory_space<vmem>>) target(%dma_start3A_724 : memref<400x64xf32, #tpu.memory_space<hbm>>) target_semaphore(%arg24 : memref<!tpu.dma_semaphore, #tpu.memory_space<semaphore_mem>>)
    %dma_wait3A_729 = arith.constant 2 : i32
    %dma_wait3A_730 = arith.constant 0 : i32
    %dma_wait3A_731 = arith.constant 0 : i32
    %dma_wait3A_732 = tpu.memref_slice %arg7[%dma_wait3A_729, %dma_wait3A_730, %dma_wait3A_731] : memref<4x400x64xf32, #tpu.memory_space<vmem>> -> memref<1x400x64xf32, #tpu.memory_space<vmem>>
    %dma_wait3A_733 = tpu.memref_squeeze %dma_wait3A_732 : memref<1x400x64xf32, #tpu.memory_space<vmem>> -> memref<400x64xf32, #tpu.memory_space<vmem>>
    %dma_wait3A_734 = arith.constant 0 : i32
    %dma_wait3A_735 = arith.constant 0 : i32
    %dma_wait3A_736 = tpu.memref_slice %arg5[%dma_wait3A_734, %dma_wait3A_735] : memref<819200x64xf32, #tpu.memory_space<hbm>> -> memref<400x64xf32, #tpu.memory_space<hbm>>
    %dma_wait3A_737 = arith.constant 0 : i32
    %dma_wait3A_738 = arith.constant 0 : i32
    %dma_wait3A_739 = tpu.memref_slice %arg5[%dma_wait3A_737, %dma_wait3A_738] : memref<819200x64xf32, #tpu.memory_space<hbm>> -> memref<400x64xf32, #tpu.memory_space<hbm>>
    %dma_wait3A_740 = arith.constant 0 : i32
    %dma_wait3A_741 = arith.constant 0 : i32
    %dma_wait3A_742 = tpu.memref_slice %arg7[%dma_wait3A_729, %dma_wait3A_740, %dma_wait3A_741] : memref<4x400x64xf32, #tpu.memory_space<vmem>> -> memref<1x400x64xf32, #tpu.memory_space<vmem>>
    %dma_wait3A_743 = tpu.memref_squeeze %dma_wait3A_742 : memref<1x400x64xf32, #tpu.memory_space<vmem>> -> memref<400x64xf32, #tpu.memory_space<vmem>>
    tpu.wait_dma2 semaphore(%arg23 : memref<!tpu.dma_semaphore, #tpu.memory_space<semaphore_mem>>) src(%dma_wait3A_743 : memref<400x64xf32, #tpu.memory_space<vmem>>) dst(%dma_wait3A_739 : memref<400x64xf32, #tpu.memory_space<hbm>>)
    %dma_wait3A_744 = arith.constant 3 : i32
    %dma_wait3A_745 = arith.constant 0 : i32
    %dma_wait3A_746 = arith.constant 0 : i32
    %dma_wait3A_747 = tpu.memref_slice %arg7[%dma_wait3A_744, %dma_wait3A_745, %dma_wait3A_746] : memref<4x400x64xf32, #tpu.memory_space<vmem>> -> memref<1x400x64xf32, #tpu.memory_space<vmem>>
    %dma_wait3A_748 = tpu.memref_squeeze %dma_wait3A_747 : memref<1x400x64xf32, #tpu.memory_space<vmem>> -> memref<400x64xf32, #tpu.memory_space<vmem>>
    %dma_wait3A_749 = arith.constant 0 : i32
    %dma_wait3A_750 = arith.constant 0 : i32
    %dma_wait3A_751 = tpu.memref_slice %arg5[%dma_wait3A_749, %dma_wait3A_750] : memref<819200x64xf32, #tpu.memory_space<hbm>> -> memref<400x64xf32, #tpu.memory_space<hbm>>
    %dma_wait3A_752 = arith.constant 0 : i32
    %dma_wait3A_753 = arith.constant 0 : i32
    %dma_wait3A_754 = tpu.memref_slice %arg5[%dma_wait3A_752, %dma_wait3A_753] : memref<819200x64xf32, #tpu.memory_space<hbm>> -> memref<400x64xf32, #tpu.memory_space<hbm>>
    %dma_wait3A_755 = arith.constant 0 : i32
    %dma_wait3A_756 = arith.constant 0 : i32
    %dma_wait3A_757 = tpu.memref_slice %arg7[%dma_wait3A_744, %dma_wait3A_755, %dma_wait3A_756] : memref<4x400x64xf32, #tpu.memory_space<vmem>> -> memref<1x400x64xf32, #tpu.memory_space<vmem>>
    %dma_wait3A_758 = tpu.memref_squeeze %dma_wait3A_757 : memref<1x400x64xf32, #tpu.memory_space<vmem>> -> memref<400x64xf32, #tpu.memory_space<vmem>>
    tpu.wait_dma2 semaphore(%arg24 : memref<!tpu.dma_semaphore, #tpu.memory_space<semaphore_mem>>) src(%dma_wait3A_758 : memref<400x64xf32, #tpu.memory_space<vmem>>) dst(%dma_wait3A_754 : memref<400x64xf32, #tpu.memory_space<hbm>>)
    return
  }
}

</mosaic_0001>

<sc_bundles>
// kernel: kernel.3.cloned.1.call-start
scs
__scs_entry_jumppad:
0x0: {  	(pc) =	sbr.rel $0x88, $3  }
0x1: {  	(tag) =	ssettag $0x0;
	lr =	simm.s32 $0x1  }
0x2: {  	[smem:$0x3F9E] =	sst lr;
	_ =	strace $0xD0000000  }
0x3: {  	_ = 	snop  }
0x4: {  	_ = 	snop  }
0x5: {  	_ = 	snop  }
0x6: {  	_ = 	snop  }
0x7: {  	_ = 	snop  }
__scs_overlays_trampoline_lowered:
0x8: {  	[smem:$0x3FAD] =	sst s0  }
0x9: {  	[smem:$0x3FAE] =	sst s1  }
0xa: {  	[smem:$0x3FAF] =	sst s2  }
0xb: {  	[smem:$0x3FB0] =	sst s3  }
0xc: {  	[smem:$0x3FB1] =	sst s4  }
0xd: {  	[smem:$0x3FB2] =	sst s5  }
0xe: {  	[smem:$0x3FB3] =	sst s6  }
0xf: {  	[smem:$0x3FB4] =	sst s7  }
0x10: {  	[smem:$0x3FB5] =	sst s8  }
0x11: {  	[smem:$0x3FB6] =	sst s9;
	s0 =	simm.s32 @!p0 $0x0  }
0x12: {  	s1 =	sld [smem:$0x3F9C];
	s0 =	simm.s32 @p0 $0x1  }
0x13: {  	[smem:$0x3FB7] =	sst s0;
	s0 =	simm.s32 @!p1 $0x0  }
0x14: {  	s2 =	sld [smem:$0x3F9B];
	s0 =	simm.s32 @p1 $0x1  }
0x15: {  	[smem:$0x3FB8] =	sst s0;
	s0 =	simm.s32 @!p2 $0x0  }
0x16: {  	s3 =	sld [smem:$0x3FDB];
	s0 =	simm.s32 @p2 $0x1  }
0x17: {  	s4 =	simm.s32 $0x1BF5;
	[smem:$0x3FBA] =	sst s0  }
0x18: {  	s0 =	sld [smem:$0x3F9D];
	_ =	swait.ge [sflag:s4], $0x0  }
0x19: {  	s7 =	sld [smem:$0x3F9E]  }
0x1a: {  	s8 =	sadd.s32 $0xFFFFE003, lr  }
0x1b: {  	s9 =	sadd.s32 $0xFFFFFEF7, lr;
	s5 =	simm.s32 $0xFFFFFFFF;
	p2 =	slt.u32 s8, $0xFFFFF086  }
0x1c: {  	p1 =	slt.u32 s9, $0xF7A;
	s5 =	simm.s32 @!p2 $0x0  }
0x1d: {  	s5 =	simm.s32 @p1 $0x1;
	p0 =	seq.s32 s7, s2  }
0x1e: {  	s7 =	smul.u32 @!p0 $0xF7A, s2;
	p2 =	seq.s32 @!p0 s5, $0x0  }
0x1f: {  	s9 =	smul.u32 $0xF7A, s1;
	s8 =	simm.s32 @!p0 $0x1BF5;
	p2 =	por !p2, p0  }
0x20: {  	[sflag:s8] =	ssyncset.s32 @!p0 $0xFFFFF086;
	s6 =	sadd.s32 @!p0 s3, s7;
	s7 =	simm.s32 @!p0 $0x108  }
0x21: {  	s3 =	sadd.s32 s3, s9;
	s6 =	sadd.s32 @!p0 $0x88, s6;
	s7 =	simm.s32 @p2 $0x1082  }
0x22: {  	[simem:s7], [sflag:s8] =	dma.local @!p0 [hbm:s6], $0xF7A  }
0x23: {  	s9 =	sor.u32 $0xD0000000, s2;
	s6 =	simm.s32 $0x108;
	_ =	swait.ge @!p0 [sflag:s8], $0x0  }
0x24: {  	s3 =	sadd.s32 $0x88, s3;
	s6 =	simm.s32 @!p1 $0x1082;
	[sflag:s4] =	ssyncset.s32 $0xFFFFF086  }
0x25: {  	[simem:s6], [sflag:s4] =	dma.local [hbm:s3], $0xF7A  }
0x26: {  	[smem:$0x3F9E] =	sst s1;
	(tag) =	ssettag s2;
	_ =	strace s9  }
0x27: {  	s1 =	sld [smem:$0x3FAE]  }
0x28: {  	s2 =	sld [smem:$0x3FAF]  }
0x29: {  	s4 =	sld [smem:$0x3FB1]  }
0x2a: {  	p0 =	seq.s32 s5, $0x0;
	s5 =	sld [smem:$0x3FB2]  }
0x2b: {  	s6 =	sld [smem:$0x3FB3]  }
0x2c: {  	s7 =	sld [smem:$0x3FB4]  }
0x2d: {  	s3 =	simm.s32 $0x108;
	s8 =	sld [smem:$0x3FB5]  }
0x2e: {  	s3 =	simm.s32 @!p0 $0x1082;
	s9 =	sld [smem:$0x3FB6]  }
0x2f: {  	lr =	sadd.s32 s0, s3;
	s0 =	sld [smem:$0x3FAD]  }
0x30: {  	s3 =	sld [smem:$0x3FB0]  }
0x31: {  	[smem:$0x3FB9] =	sst s10  }
0x32: {  	s10 =	sld [smem:$0x3FB7];
	_ =	sdelay $0x3  }
0x33: {  	p0 =	seq.s32 s10, $0x1;
	s10 =	sld [smem:$0x3FB9];
	_ =	sdelay $0x3  }
0x34: {  	[smem:$0x3FB9] =	sst s10  }
0x35: {  	s10 =	sld [smem:$0x3FB8];
	_ =	sdelay $0x3  }
0x36: {  	p1 =	seq.s32 s10, $0x1;
	s10 =	sld [smem:$0x3FB9];
	_ =	sdelay $0x3  }
0x37: {  	[smem:$0x3FB9] =	sst s10  }
0x38: {  	s10 =	sld [smem:$0x3FBA]  }
0x39: {  	_ = 	snop;
	(pc) =	sbr.ind lr, $3  }
0x3a: {  	_ = 	snop  }
0x3b: {  	_ = 	snop  }
0x3c: {  	p2 =	seq.s32 s10, $0x1;
	s10 =	sld [smem:$0x3FB9]  }
0x3d: {  	_ =	shalt  }
0x3e: {  	_ =	shalt  }
0x3f: {  	_ =	shalt  }
0x40: {  	_ =	shalt  }
0x41: {  	_ =	shalt  }
0x42: {  	_ =	shalt  }
0x43: {  	_ =	shalt  }
0x44: {  	_ =	shalt  }
0x45: {  	_ =	shalt  }
0x46: {  	_ =	shalt  }
0x47: {  	_ =	shalt  }
0x48: {  	_ =	shalt  }
0x49: {  	_ =	shalt  }
0x4a: {  	_ =	shalt  }
0x4b: {  	_ =	shalt  }
0x4c: {  	_ =	shalt  }
0x4d: {  	_ =	shalt  }
0x4e: {  	_ =	shalt  }
0x4f: {  	_ =	shalt  }
0x50: {  	_ =	shalt  }
0x51: {  	_ =	shalt  }
0x52: {  	_ =	shalt  }
0x53: {  	_ =	shalt  }
0x54: {  	_ =	shalt  }
0x55: {  	_ =	shalt  }
0x56: {  	_ =	shalt  }
0x57: {  	_ =	shalt  }
0x58: {  	_ =	shalt  }
0x59: {  	_ =	shalt  }
0x5a: {  	_ =	shalt  }
0x5b: {  	_ =	shalt  }
0x5c: {  	_ =	shalt  }
0x5d: {  	_ =	shalt  }
0x5e: {  	_ =	shalt  }
0x5f: {  	_ =	shalt  }
0x60: {  	_ =	shalt  }
0x61: {  	_ =	shalt  }
0x62: {  	_ =	shalt  }
0x63: {  	_ =	shalt  }
0x64: {  	_ =	shalt  }
0x65: {  	_ =	shalt  }
0x66: {  	_ =	shalt  }
0x67: {  	_ =	shalt  }
0x68: {  	_ =	shalt  }
0x69: {  	_ =	shalt  }
0x6a: {  	_ =	shalt  }
0x6b: {  	_ =	shalt  }
0x6c: {  	_ =	shalt  }
0x6d: {  	_ =	shalt  }
0x6e: {  	_ =	shalt  }
0x6f: {  	_ =	shalt  }
0x70: {  	_ =	shalt  }
0x71: {  	_ =	shalt  }
0x72: {  	_ =	shalt  }
0x73: {  	_ =	shalt  }
0x74: {  	_ =	shalt  }
0x75: {  	_ =	shalt  }
0x76: {  	_ =	shalt  }
0x77: {  	_ =	shalt  }
0x78: {  	_ =	shalt  }
0x79: {  	_ =	shalt  }
0x7a: {  	_ =	shalt  }
0x7b: {  	_ =	shalt  }
0x7c: {  	_ =	shalt  }
0x7d: {  	_ =	shalt  }
0x7e: {  	_ =	shalt  }
0x7f: {  	_ =	shalt  }
0x80: {  	_ =	shalt  }
0x81: {  	_ =	shalt  }
0x82: {  	_ =	shalt  }
0x83: {  	_ =	shalt  }
0x84: {  	_ =	shalt  }
0x85: {  	_ =	shalt  }
0x86: {  	_ =	shalt  }
0x87: {  	_ =	shalt  }
.Lfunc_end0:
.L_simem_size_0:
called_computation.1_lowered:
.L_overlay_start_0:
0x88: {  	s2 =	sld [smem:$0x3FD9]  }
0x89: {  	s3 =	sld [smem:$0x3FFE];
	_ =	sdelay $0x1  }
0x8a: {  	s1 =	srdreg.scid  }
0x8b: {  	s0 =	sand.u32 $0x1, s1  }
0x8c: {  	s17 =	sshll.u32 s0, $0xA;
	s2 =	sadd.s32 s3, s2  }
0x8d: {  	s2 =	sadd.s32 s2, s17  }
0x8e: {  	[smem:$0x3FC5] =	sst s2  }
0x8f: {  	_ = 	snop  }
0x90: {  	s2 =	sld [smem:$0x3FD0];
	(tm) =	ssettm $0x1  }
0x91: {  	s18 =	sld [smem:$0x3FFB];
	_ =	sdelay $0x3  }
0x92: {  	_ =	strace s18  }
0x93: {  	s3 =	sld [smem:$0x3FFC];
	_ =	sdelay $0x3  }
0x94: {  	_ =	strace s3  }
0x95: {  	s3 =	sld [smem:$0x3FFD];
	_ =	sdelay $0x3  }
0x96: {  	_ =	strace s3  }
0x97: {  	_ =	strace $0x8FFFFFFF  }
0x98: {  	s19 =	sld [smem:$0x3FDB];
	_ =	sdelay $0x1  }
0x99: {  	s4 =	simm.s32 $_scs_section_size  }
0x9a: {  	s5 =	simm.s32 $_size__tile_overlayer_lowered;
	s6 =	simm.s32 $_tile_overlayer_lowered  }
0x9b: {  	s22 =	simm.s32 $0x1BFF;
	s21 =	sshll.u32 s6, $0x1;
	s3 =	sadd.s32 s4, s19  }
0x9c: {  	s7 =	simm.s32 $0x0;
	s20 =	sshll.u32 s5, $0x1;
	s5 =	sadd.s32 s21, s3  }
0x9d: {  	[timem:s7], [sflag:s22] =	dma.local [hbm:s5], s20  }
0x9e: {  	_ =	swait.ge [sflag:s22], s20  }
0x9f: {  	s4 =	ssub.s32 $0x0, s20;
	[sflag:s22] =	ssyncset.done $0x0  }
0xa0: {  	[sflag:s22] =	ssyncadd.s32 s4;
	_ =	sdelay $0x1  }
0xa1: {  	s23 =	simm.s32 $0x1B8B  }
0xa2: {  	_ =	swait.ge [sflag:s23], $0x1  }
0xa3: {  	[sflag:s23] =	ssyncset.done $0x0  }
0xa4: {  	s25 =	simm.s32 $0x1B8E;
	s24 =	sld [smem:$0x3FFE];
	[sflag:s23] =	ssyncadd.s32 $0xFFFFFFFF  }
0xa5: {  	s26 =	simm.s32 $execute0_lowered;
	[smem:$0x3FD2] =	sst s25  }
0xa6: {  	s5 =	sshll.u32 s26, $0x1;
	_ =	strace $0x80000046;
	[dreg:$0x1] =	wrdreg $0xFFFFFFFF  }
0xa7: {  	s28 =	simm.s32 $_size_execute0_lowered;
	s3 =	sadd.s32 s3, s5;
	[dreg:$0x0] =	wrdreg $0x0  }
0xa8: {  	s5 =	sshll.u32 s28, $0x1;
	[dreg:$0x2] =	wrdreg s3  }
0xa9: {  	[dreg:$0x3] =	wrdreg s5  }
0xaa: {  	[dreg:$0x4] =	wrdreg $0xC0  }
0xab: {  	_ =	task [dreg:s7], $0x5FFFF  }
0xac: {  	[dreg:$0x1] =	wrdreg $0xFFFFFFFF  }
0xad: {  	[dreg:$0x0] =	wrdreg $0x60  }
0xae: {  	[dreg:$0x2] =	wrdreg s24  }
0xaf: {  	[dreg:$0x3] =	wrdreg s2  }
0xb0: {  	[dreg:$0x4] =	wrdreg $0x196400  }
0xb1: {  	[dreg:$0x5] =	wrdreg $0x9  }
0xb2: {  	_ =	task.clear_ibuf [dreg:s7], $0x6FFFF;
	_ =	strace $0x90000046  }
0xb3: {  	s29 =	simm.s32 $0x9;
	_ =	strace $0x80000048  }
0xb4: {  	_ =	swait.ge [sflag:s29], $0x1  }
0xb5: {  	[sflag:s29] =	ssyncadd.s32 $0xFFFFFFFF  }
0xb6: {  	_ =	strace $0x90000048  }
0xb7: {  	_ =	sfence  }
0xb8: {  	s30 =	sld [smem:$0x0];
	_ =	sdelay $0x2  }
0xb9: {  	s31 =	sshll.u32 s1, $0xD;
	s1 =	sshrl.u32 s1, $0x2  }
0xba: {  	s3 =	sand.u32 $0x4000, s31;
	s1 =	sadd.s32 s1, s30  }
0xbb: {  	s0 =	sor.u32 s3, s0;
	s1 =	sshll.u32 s1, $0x11  }
0xbc: {  	s0 =	sor.u32 s1, s0  }
0xbd: {  	s0 =	sadd.s32 $0x8F2B, s0  }
0xbe: {  	[sflag:s0] =	ssyncadd.remote.s32 $0x1  }
0xbf: {  	_ =	sfence.sel $0xFFFF  }
0xc0: {  	[dreg:$0x0] =	wrdreg $0xFFFFFFFF;
	(pc) =	sbr.abs _section_cstart, $3  }
0xc1: {  	[dreg:$0x1] =	wrdreg $0xFFFFFFFF  }
0xc2: {  	_ =	task.clear_ibuf [dreg:s7], $0x2FFFF;
	_ =	strace $0x9FFFFFFF  }
0xc3: {  	(tm) =	ssettm $0x7FFFFFFF  }
tec
execute0_lowered:
.L_overlay_start_1:
0x0: {  	(tag) =	ssettag $0x1  }
0x1: {  	s5 =	rddreg [dreg:$0x0]  }
0x2: {  	s4 =	rddreg [dreg:$0x1]  }
0x3: {  	s1 =	rddreg [dreg:$0x2];
	s2 =	simm.s32 $0x0  }
0x4: {  	s3 =	srdreg.scid;
	s0 =	stileid.u32;
	s28 =	simm.s32 $0x190  }
0x5: {  	s31 =	simm.s32 $0x2;
	[smem:$0x7FF] =	sst s2;
	s6 =	sand.u32 $0x1, s3  }
0x6: {  	s26 =	sshll.u32 s0, $0x1;
	s9 =	sadd.s32 $0xC00, s5;
	s23 =	smul.u32 $0xC800, s0  }
0x7: {  	s7 =	ssub.s32 $0x2, s6;
	s8 =	sor.u32 s6, s26;
	s6 =	smul.u32 $0x6400, s6  }
0x8: {  	s3 =	sadd.s32 $0xF43000, s5;
	s5 =	sadd.s32 $0x19C00, s5;
	s11 =	smul.u32 $0x6400, s8  }
0x9: {  	p0 =	sne.s32 s0, $0x0;
	_ =	strace $0x80000047;
	s16 =	smul.u32 $0x32000, s8  }
0xa: {  	[dreg:$0x8] =	wrdreg s5;
	s10 =	sshrl.u32 s7, $0x1;
	s8 =	smul.u32 $0x190000, s8  }
0xb: {  	s5 =	ssub.s32 s7, s10;
	s7 =	sadd.s32 $0x3200, s1;
	s6 =	sadd.s32 s6, s23  }
0xc: {  	s29 =	sshrl.u32 s11, $0x3;
	s12 =	sor.u32 $0x190, s11;
	s13 =	sor.u32 $0x320, s11  }
0xd: {  	s15 =	sadd.s32 $0x4B0, s11;
	s20 =	sadd.s32 s4, s16;
	s11 =	sadd.s32 $0x6270, s11  }
0xe: {  	s8 =	sshrl.u32 s8, $0x3;
	s16 =	sadd.s32 $0xC80, s6;
	s5 =	smax.u32 s5, $0x1  }
0xf: {  	s0 =	sshrl.u32 @!p0 s7, $0x3;
	s7 =	simm.s32 $0x5;
	s17 =	sadd.s32 s9, s29  }
0x10: {  	s30 =	sshrl.u32 s12, $0x3;
	s14 =	sshrl.u32 s13, $0x3;
	s19 =	sshrl.u32 s15, $0x3  }
0x11: {  	[dreg:$0xd] =	wrdreg s20;
	s21 =	sshll.u32 s12, $0x3;
	s25 =	sshll.u32 s13, $0x3  }
0x12: {  	s26 =	sshll.u32 s15, $0x3;
	s29 =	sshrl.u32 s11, $0x3;
	[dreg:$0x19] =	wrdreg s5  }
0x13: {  	s8 =	sadd.s32 s4, s8;
	s11 =	sshll.u32 s11, $0x3;
	[dreg:$0x1d] =	wrdreg s0  }
0x14: {  	s20 =	sadd.s32 $0xAF0, s6;
	s10 =	sadd.s32 s9, s30;
	[dreg:$0x9] =	wrdreg s17  }
0x15: {  	s5 =	simm.s32 $0xA;
	s18 =	sadd.s32 s9, s14;
	[dreg:$0xa] =	wrdreg s10  }
0x16: {  	s0 =	simm.s32 $0x0;
	s22 =	sadd.s32 $0xC8, s17;
	[dreg:$0xb] =	wrdreg s18  }
0x17: {  	s24 =	sadd.s32 $0xFA, s17;
	s12 =	sadd.s32 s4, s25;
	[dreg:$0xe] =	wrdreg s22  }
0x18: {  	s30 =	sadd.s32 $0xFA0, s6;
	s14 =	sadd.s32 $0xE10, s6;
	[dreg:$0x10] =	wrdreg s24  }
0x19: {  	s11 =	sadd.s32 s4, s11;
	s6 =	sshll.u32 s6, $0x3;
	[dreg:$0x11] =	wrdreg s12  }
0x1a: {  	s23 =	sadd.s32 $0x2EE00, s8;
	s10 =	sadd.s32 s9, s19;
	[dreg:$0x14] =	wrdreg s11  }
0x1b: {  	s12 =	sadd.s32 s4, s26;
	s13 =	sshrl.u32 s30, $0x3;
	[dreg:$0x16] =	wrdreg s23  }
0x1c: {  	s15 =	sshrl.u32 s14, $0x3;
	s18 =	sshrl.u32 s16, $0x3;
	[dreg:$0xc] =	wrdreg s10  }
0x1d: {  	s6 =	sadd.s32 s4, s6;
	s24 =	sadd.s32 $0x2FA80, s8;
	[dreg:$0x12] =	wrdreg s12  }
0x1e: {  	s22 =	sshrl.u32 s20, $0x3;
	s8 =	sadd.s32 $0x30700, s8;
	[dreg:$0x17] =	wrdreg s24  }
0x1f: {  	s30 =	sadd.s32 $0x12C, s17;
	s14 =	simm.s32 $0x13240;
	[dreg:$0x18] =	wrdreg s8  }
0x20: {  	s16 =	simm.s32 $0x8;
	s10 =	sadd.s32 s4, s21;
	[dreg:$0x1e] =	wrdreg s30  }
0x21: {  	s19 =	sadd.s32 s18, s9;
	s21 =	sshll.u32 s20, $0x3;
	[dreg:$0xf] =	wrdreg s10  }
0x22: {  	s25 =	sadd.s32 $0x4B00, s6;
	s26 =	sadd.s32 $0x3E80, s6;
	[dreg:$0x6] =	wrdreg s19  }
0x23: {  	s8 =	simm.s32 $0x6;
	s18 =	simm.s32 $0xD;
	[dreg:$0x1a] =	wrdreg s25  }
0x24: {  	s20 =	simm.s32 $0xE;
	s10 =	sadd.s32 s9, s29;
	[dreg:$0x1b] =	wrdreg s26  }
0x25: {  	s4 =	sadd.s32 s21, s4;
	s29 =	sadd.s32 $0x3200, s6;
	[dreg:$0x13] =	wrdreg s10  }
0x26: {  	s6 =	simm.s32 $0x1;
	s19 =	simm.s32 $0xB;
	[dreg:$0x15] =	wrdreg s4  }
0x27: {  	s21 =	simm.s32 $0xC;
	s10 =	sadd.s32 s13, s9;
	[dreg:$0x1c] =	wrdreg s29  }
0x28: {  	s25 =	simm.s32 $0xF;
	s4 =	sadd.s32 s22, s9;
	[dreg:$0x4] =	wrdreg s10  }
0x29: {  	s26 =	simm.s32 $0x10;
	s10 =	sadd.s32 s15, s9;
	[dreg:$0x7] =	wrdreg s4  }
0x2a: {  	s13 =	simm.s32 $0x9;
	s15 =	simm.s32 $0x4;
	[dreg:$0x5] =	wrdreg s10  }
.LBB2_1:
0x2b: {  	[dreg:$0x1f] =	wrdreg s0  }
0x2c: {  	s4 =	sshrl.u32 @!p0 s1, $0x3;
	s10 =	simm.s32 @!p0 $0x1C11;
	s17 =	rddreg [dreg:$0x8]  }
0x2d: {  	[spmem:s4], [sflag:s10] =	dma.local @!p0 [hbm:s17], $0x640  }
0x2e: {  	s4 =	simm.s32 @!p0 $0x11  }
0x2f: {  	_ =	swait.ge @!p0 [sflag:s4], $0x640  }
0x30: {  	[sflag:s4] =	ssyncset.done @!p0 $0x0  }
0x31: {  	s22 =	rddreg [dreg:$0x1d];
	[sflag:s4] =	ssyncadd.s32 @!p0 $0xFFFFF9C0  }
0x32: {  	[spmem:s22], [sflag:s10] =	dma.local @!p0 [hbm:s17], $0x640  }
0x33: {  	_ =	swait.ge @!p0 [sflag:s4], $0x640  }
0x34: {  	[sflag:s4] =	ssyncset.done @!p0 $0x0  }
0x35: {  	[sflag:s4] =	ssyncadd.s32 @!p0 $0xFFFFF9C0  }
0x36: {  	[bflag:$0x0] =	sbarrier.arrive $0xFFFF  }
0x37: {  	s12 =	rddreg [dreg:$0x9]  }
0x38: {  	[tilespmem:s2], [sflag:$0x1] =	stream.linear.gather [hbm4b:s12+s2], $0x190, $0x38;
	[tilespmem:$0x19C80] =	vst v63  }
0x39: {  	s17 =	rddreg [dreg:$0xa]  }
0x3a: {  	[tilespmem:s28], [sflag:$0x2] =	stream.linear.gather [hbm4b:s17+s2], $0x190, $0x38;
	[tilespmem:$0x19C80] =	vst v63  }
0x3b: {  	s22 =	rddreg [dreg:$0xb];
	s17 =	simm.s32 $0x320  }
0x3c: {  	[tilespmem:s17], [sflag:$0x3] =	stream.linear.gather [hbm4b:s22+s2], $0x190, $0x38;
	[tilespmem:$0x19C80] =	vst v63  }
0x3d: {  	s10 =	simm.s32 $0x640  }
0x3e: {  	[tilespmem:s10], [sflag:$0x5] =	stream.linear.gather [spmem:s1], $0x6400, $0x38;
	[tilespmem:$0x19C80] =	vst v63  }
0x3f: {  	s0 =	simm.s32 $0x6A40  }
0x40: {  	[tilespmem:s0], [sflag:$0x6] =	stream.linear.gather [spmem:s1], $0x6400, $0x38;
	[tilespmem:$0x19C80] =	vst v63  }
0x41: {  	_ =	swait.ge [sflag:s6], $0x190  }
0x42: {  	[sflag:s6] =	ssyncset.done $0x0  }
0x43: {  	[sflag:s6] =	ssyncadd.s32 $0xFFFFFE70  }
0x44: {  	_ =	swait.ge [sflag:s7], $0x6400  }
0x45: {  	[sflag:s7] =	ssyncset.done $0x0  }
0x46: {  	[sflag:s7] =	ssyncadd.s32 $0xFFFF9C00  }
0x47: {  	[tilespmem:s10], [sflag:$0x9] =	stream.indirect.gather.add.f32 [hbm:s3], $0x40, s2, s28, $0xb8;
	[tilespmem:$0x19C80] =	vst v63  }
0x48: {  	_ =	swait.ge [sflag:s31], $0x190  }
0x49: {  	[sflag:s31] =	ssyncset.done $0x0  }
0x4a: {  	[sflag:s31] =	ssyncadd.s32 $0xFFFFFE70  }
0x4b: {  	_ =	swait.ge [sflag:s8], $0x6400  }
0x4c: {  	[sflag:s8] =	ssyncset.done $0x0  }
0x4d: {  	[sflag:s8] =	ssyncadd.s32 $0xFFFF9C00  }
0x4e: {  	[tilespmem:s0], [sflag:$0xA] =	stream.indirect.gather.add.f32 [hbm:s3], $0x40, s28, s28, $0xb8;
	[tilespmem:$0x19C80] =	vst v63  }
0x4f: {  	s9 =	simm.s32 $0xCE40  }
0x50: {  	[tilespmem:s9], [sflag:$0x7] =	stream.linear.gather [spmem:s1], $0x6400, $0x38;
	[tilespmem:$0x19C80] =	vst v63  }
0x51: {  	s11 =	simm.s32 $0x4B0;
	s12 =	simm.s32 $0x3;
	s23 =	rddreg [dreg:$0xc]  }
0x52: {  	[tilespmem:s11], [sflag:$0x4] =	stream.linear.gather [hbm4b:s23+s2], $0x190, $0x38;
	[tilespmem:$0x19C80] =	vst v63  }
0x53: {  	_ =	swait.ge [sflag:s12], $0x190  }
0x54: {  	[sflag:s12] =	ssyncset.done $0x0  }
0x55: {  	s22 =	simm.s32 $0x7;
	[sflag:s12] =	ssyncadd.s32 $0xFFFFFE70  }
0x56: {  	_ =	swait.ge [sflag:s22], $0x6400  }
0x57: {  	[sflag:s22] =	ssyncset.done $0x0  }
0x58: {  	[sflag:s22] =	ssyncadd.s32 $0xFFFF9C00  }
0x59: {  	[tilespmem:s9], [sflag:$0xB] =	stream.indirect.gather.add.f32 [hbm:s3], $0x40, s17, s28, $0xb8;
	[tilespmem:$0x19C80] =	vst v63  }
0x5a: {  	_ =	swait.ge [sflag:s13], $0x6400  }
0x5b: {  	[sflag:s13] =	ssyncset.done $0x0  }
0x5c: {  	s24 =	rddreg [dreg:$0xd];
	[sflag:s13] =	ssyncadd.s32 $0xFFFF9C00  }
0x5d: {  	[hbm4b:s24+s2] =	stream.linear.scatter [tilespmem:s10], [sflag:$0xD], $0x6400, $0x38;
	[tilespmem:$0x19C80] =	vst v63  }
0x5e: {  	_ = 	snop  }
0x5f: {  	[tilespmem:s14], [sflag:$0x8] =	stream.linear.gather [spmem:s1], $0x6400, $0x38;
	[tilespmem:$0x19C80] =	vst v63  }
0x60: {  	s30 =	rddreg [dreg:$0xe]  }
0x61: {  	[tilespmem:s2], [sflag:$0x1] =	stream.linear.gather [hbm4b:s30+s2], $0x190, $0x38;
	[tilespmem:$0x19C80] =	vst v63  }
0x62: {  	_ =	swait.ge [sflag:s15], $0x190  }
0x63: {  	[sflag:s15] =	ssyncset.done $0x0  }
0x64: {  	[sflag:s15] =	ssyncadd.s32 $0xFFFFFE70  }
0x65: {  	_ =	swait.ge [sflag:s16], $0x6400  }
0x66: {  	[sflag:s16] =	ssyncset.done $0x0  }
0x67: {  	[sflag:s16] =	ssyncadd.s32 $0xFFFF9C00  }
0x68: {  	[tilespmem:s14], [sflag:$0xC] =	stream.indirect.gather.add.f32 [hbm:s3], $0x40, s11, s28, $0xb8;
	[tilespmem:$0x19C80] =	vst v63  }
0x69: {  	_ =	swait.ge [sflag:s5], $0x6400  }
0x6a: {  	[sflag:s5] =	ssyncset.done $0x0  }
0x6b: {  	s23 =	rddreg [dreg:$0xf];
	[sflag:s5] =	ssyncadd.s32 $0xFFFF9C00  }
0x6c: {  	[hbm4b:s23+s2] =	stream.linear.scatter [tilespmem:s0], [sflag:$0xE], $0x6400, $0x38;
	[tilespmem:$0x19C80] =	vst v63  }
0x6d: {  	_ =	swait.ge [sflag:s18], $0x6400  }
0x6e: {  	[sflag:s18] =	ssyncset.done $0x0  }
0x6f: {  	[sflag:s18] =	ssyncadd.s32 $0xFFFF9C00  }
0x70: {  	[tilespmem:s10], [sflag:$0x5] =	stream.linear.gather [spmem:s1], $0x6400, $0x38;
	[tilespmem:$0x19C80] =	vst v63  }
0x71: {  	s24 =	rddreg [dreg:$0x10]  }
0x72: {  	[tilespmem:s28], [sflag:$0x2] =	stream.linear.gather [hbm4b:s24+s2], $0x190, $0x38;
	[tilespmem:$0x19C80] =	vst v63  }
0x73: {  	_ =	swait.ge [sflag:s6], $0x190  }
0x74: {  	[sflag:s6] =	ssyncset.done $0x0  }
0x75: {  	[sflag:s6] =	ssyncadd.s32 $0xFFFFFE70  }
0x76: {  	_ =	swait.ge [sflag:s7], $0x6400  }
0x77: {  	[sflag:s7] =	ssyncset.done $0x0  }
0x78: {  	[sflag:s7] =	ssyncadd.s32 $0xFFFF9C00  }
0x79: {  	[tilespmem:s10], [sflag:$0x9] =	stream.indirect.gather.add.f32 [hbm:s3], $0x40, s2, s28, $0xb8;
	[tilespmem:$0x19C80] =	vst v63  }
0x7a: {  	_ =	swait.ge [sflag:s19], $0x6400  }
0x7b: {  	[sflag:s19] =	ssyncset.done $0x0  }
0x7c: {  	s30 =	rddreg [dreg:$0x11];
	[sflag:s19] =	ssyncadd.s32 $0xFFFF9C00  }
0x7d: {  	[hbm4b:s30+s2] =	stream.linear.scatter [tilespmem:s9], [sflag:$0xF], $0x6400, $0x38;
	[tilespmem:$0x19C80] =	vst v63  }
0x7e: {  	_ =	swait.ge [sflag:s20], $0x6400  }
0x7f: {  	[sflag:s20] =	ssyncset.done $0x0  }
0x80: {  	[sflag:s20] =	ssyncadd.s32 $0xFFFF9C00  }
0x81: {  	[tilespmem:s0], [sflag:$0x6] =	stream.linear.gather [spmem:s1], $0x6400, $0x38;
	[tilespmem:$0x19C80] =	vst v63  }
0x82: {  	s23 =	rddreg [dreg:$0x1e]  }
0x83: {  	[tilespmem:s17], [sflag:$0x3] =	stream.linear.gather [hbm4b:s23+s2], $0x190, $0x38;
	[tilespmem:$0x19C80] =	vst v63  }
0x84: {  	_ =	swait.ge [sflag:s31], $0x190  }
0x85: {  	[sflag:s31] =	ssyncset.done $0x0  }
0x86: {  	[sflag:s31] =	ssyncadd.s32 $0xFFFFFE70  }
0x87: {  	_ =	swait.ge [sflag:s8], $0x6400  }
0x88: {  	[sflag:s8] =	ssyncset.done $0x0  }
0x89: {  	[sflag:s8] =	ssyncadd.s32 $0xFFFF9C00  }
0x8a: {  	[tilespmem:s0], [sflag:$0xA] =	stream.indirect.gather.add.f32 [hbm:s3], $0x40, s28, s28, $0xb8;
	[tilespmem:$0x19C80] =	vst v63  }
0x8b: {  	_ =	swait.ge [sflag:s21], $0x6400  }
0x8c: {  	[sflag:s21] =	ssyncset.done $0x0  }
0x8d: {  	s24 =	rddreg [dreg:$0x12];
	[sflag:s21] =	ssyncadd.s32 $0xFFFF9C00  }
0x8e: {  	[hbm4b:s24+s2] =	stream.linear.scatter [tilespmem:s14], [sflag:$0x10], $0x6400, $0x38;
	[tilespmem:$0x19C80] =	vst v63  }
0x8f: {  	_ =	swait.ge [sflag:s25], $0x6400  }
0x90: {  	[sflag:s25] =	ssyncset.done $0x0  }
0x91: {  	s30 =	rddreg [dreg:$0x7];
	[sflag:s25] =	ssyncadd.s32 $0xFFFF9C00  }
0x92: {  	[tilespmem:s9], [sflag:$0x7] =	stream.linear.gather [spmem:s1], $0x6400, $0x38;
	[tilespmem:$0x19C80] =	vst v63  }
0x93: {  	s4 =	sadd.s32 $0x0, s30  }
0x94: {  	[tilespmem:s11], [sflag:$0x4] =	stream.linear.gather [hbm4b:s4+s2], $0x190, $0x38;
	[tilespmem:$0x19C80] =	vst v63  }
0x95: {  	_ =	swait.ge [sflag:s12], $0x190  }
0x96: {  	[sflag:s12] =	ssyncset.done $0x0  }
0x97: {  	[sflag:s12] =	ssyncadd.s32 $0xFFFFFE70  }
0x98: {  	_ =	swait.ge [sflag:s22], $0x6400  }
0x99: {  	[sflag:s22] =	ssyncset.done $0x0  }
0x9a: {  	[sflag:s22] =	ssyncadd.s32 $0xFFFF9C00  }
0x9b: {  	[tilespmem:s9], [sflag:$0xB] =	stream.indirect.gather.add.f32 [hbm:s3], $0x40, s17, s28, $0xb8;
	[tilespmem:$0x19C80] =	vst v63  }
0x9c: {  	_ =	swait.ge [sflag:s13], $0x6400  }
0x9d: {  	[sflag:s13] =	ssyncset.done $0x0  }
0x9e: {  	s23 =	rddreg [dreg:$0x1c];
	[sflag:s13] =	ssyncadd.s32 $0xFFFF9C00  }
0x9f: {  	[hbm4b:s23+s2] =	stream.linear.scatter [tilespmem:s10], [sflag:$0xD], $0x6400, $0x38;
	[tilespmem:$0x19C80] =	vst v63  }
0xa0: {  	_ =	swait.ge [sflag:s26], $0x6400  }
0xa1: {  	[sflag:s26] =	ssyncset.done $0x0  }
0xa2: {  	s30 =	rddreg [dreg:$0x6];
	[sflag:s26] =	ssyncadd.s32 $0xFFFF9C00  }
0xa3: {  	[tilespmem:s14], [sflag:$0x8] =	stream.linear.gather [spmem:s1], $0x6400, $0x38;
	[tilespmem:$0x19C80] =	vst v63  }
0xa4: {  	s4 =	sadd.s32 $0x0, s30  }
0xa5: {  	[tilespmem:s2], [sflag:$0x1] =	stream.linear.gather [hbm4b:s4+s2], $0x190, $0x38;
	[tilespmem:$0x19C80] =	vst v63  }
0xa6: {  	_ =	swait.ge [sflag:s15], $0x190  }
0xa7: {  	[sflag:s15] =	ssyncset.done $0x0  }
0xa8: {  	[sflag:s15] =	ssyncadd.s32 $0xFFFFFE70  }
0xa9: {  	_ =	swait.ge [sflag:s16], $0x6400  }
0xaa: {  	[sflag:s16] =	ssyncset.done $0x0  }
0xab: {  	[sflag:s16] =	ssyncadd.s32 $0xFFFF9C00  }
0xac: {  	[tilespmem:s14], [sflag:$0xC] =	stream.indirect.gather.add.f32 [hbm:s3], $0x40, s11, s28, $0xb8;
	[tilespmem:$0x19C80] =	vst v63  }
0xad: {  	_ =	swait.ge [sflag:s5], $0x6400  }
0xae: {  	[sflag:s5] =	ssyncset.done $0x0  }
0xaf: {  	s30 =	rddreg [dreg:$0x1b];
	[sflag:s5] =	ssyncadd.s32 $0xFFFF9C00  }
0xb0: {  	[hbm4b:s30+s2] =	stream.linear.scatter [tilespmem:s0], [sflag:$0xE], $0x6400, $0x38;
	[tilespmem:$0x19C80] =	vst v63  }
0xb1: {  	_ =	swait.ge [sflag:s18], $0x6400  }
0xb2: {  	[sflag:s18] =	ssyncset.done $0x0  }
0xb3: {  	s11 =	rddreg [dreg:$0x5];
	[sflag:s18] =	ssyncadd.s32 $0xFFFF9C00  }
0xb4: {  	[tilespmem:s10], [sflag:$0x5] =	stream.linear.gather [spmem:s1], $0x6400, $0x38;
	[tilespmem:$0x19C80] =	vst v63  }
0xb5: {  	s4 =	sadd.s32 $0x0, s11  }
0xb6: {  	[tilespmem:s28], [sflag:$0x2] =	stream.linear.gather [hbm4b:s4+s2], $0x190, $0x38;
	[tilespmem:$0x19C80] =	vst v63  }
0xb7: {  	_ =	swait.ge [sflag:s6], $0x190  }
0xb8: {  	[sflag:s6] =	ssyncset.done $0x0  }
0xb9: {  	[sflag:s6] =	ssyncadd.s32 $0xFFFFFE70  }
0xba: {  	_ =	swait.ge [sflag:s7], $0x6400  }
0xbb: {  	[sflag:s7] =	ssyncset.done $0x0  }
0xbc: {  	[sflag:s7] =	ssyncadd.s32 $0xFFFF9C00  }
0xbd: {  	[tilespmem:s10], [sflag:$0x9] =	stream.indirect.gather.add.f32 [hbm:s3], $0x40, s2, s28, $0xb8;
	[tilespmem:$0x19C80] =	vst v63  }
0xbe: {  	_ =	swait.ge [sflag:s19], $0x6400  }
0xbf: {  	[sflag:s19] =	ssyncset.done $0x0  }
0xc0: {  	s12 =	rddreg [dreg:$0x1a];
	[sflag:s19] =	ssyncadd.s32 $0xFFFF9C00  }
0xc1: {  	[hbm4b:s12+s2] =	stream.linear.scatter [tilespmem:s9], [sflag:$0xF], $0x6400, $0x38;
	[tilespmem:$0x19C80] =	vst v63  }
0xc2: {  	_ =	swait.ge [sflag:s20], $0x6400  }
0xc3: {  	[sflag:s20] =	ssyncset.done $0x0  }
0xc4: {  	s24 =	rddreg [dreg:$0x4];
	[sflag:s20] =	ssyncadd.s32 $0xFFFF9C00  }
0xc5: {  	[tilespmem:s0], [sflag:$0x6] =	stream.linear.gather [spmem:s1], $0x6400, $0x38;
	[tilespmem:$0x19C80] =	vst v63  }
0xc6: {  	s4 =	sadd.s32 $0x0, s24  }
0xc7: {  	[tilespmem:s17], [sflag:$0x3] =	stream.linear.gather [hbm4b:s4+s2], $0x190, $0x38;
	[tilespmem:$0x19C80] =	vst v63  }
0xc8: {  	_ =	swait.ge [sflag:s31], $0x190  }
0xc9: {  	[sflag:s31] =	ssyncset.done $0x0  }
0xca: {  	[sflag:s31] =	ssyncadd.s32 $0xFFFFFE70  }
0xcb: {  	_ =	swait.ge [sflag:s8], $0x6400  }
0xcc: {  	s22 =	sadd.s32 $0x3200, s23;
	[sflag:s8] =	ssyncset.done $0x0  }
0xcd: {  	s11 =	simm.s32 $0x6;
	s9 =	simm.s32 $0x5;
	[sflag:s8] =	ssyncadd.s32 $0xFFFF9C00  }
0xce: {  	[tilespmem:s0], [sflag:$0xA] =	stream.indirect.gather.add.f32 [hbm:s3], $0x40, s28, s28, $0xb8;
	[tilespmem:$0x19C80] =	vst v63  }
0xcf: {  	s24 =	sadd.s32 $0x3200, s12;
	s17 =	simm.s32 $0xC8;
	_ =	swait.ge [sflag:s21], $0x6400  }
0xd0: {  	s4 =	sadd.s32 $0x3200, s30;
	[sflag:s21] =	ssyncset.done $0x0;
	s29 =	rddreg [dreg:$0x15]  }
0xd1: {  	s8 =	simm.s32 $0x1;
	s23 =	sadd.s32 $0x3200, s29;
	[sflag:s21] =	ssyncadd.s32 $0xFFFF9C00  }
.LBB2_2:
0xd2: {  	[hbm4b:s29+s2] =	stream.linear.scatter [tilespmem:s14], [sflag:$0x10], $0x6400, $0x38;
	[tilespmem:$0x19C80] =	vst v63  }
0xd3: {  	_ =	swait.ge [sflag:s25], $0x6400  }
0xd4: {  	s10 =	smov.u32 s17;
	[sflag:s25] =	ssyncset.done $0x0  }
0xd5: {  	s12 =	simm.s32 $0xCE40;
	s30 =	rddreg [dreg:$0x7];
	[sflag:s25] =	ssyncadd.s32 $0xFFFF9C00  }
0xd6: {  	[tilespmem:s12], [sflag:$0x7] =	stream.linear.gather [spmem:s1], $0x6400, $0x38;
	[tilespmem:$0x19C80] =	vst v63  }
0xd7: {  	s0 =	simm.s32 $0x4B0;
	s6 =	simm.s32 $0x3;
	s30 =	sadd.s32 s10, s30  }
0xd8: {  	[tilespmem:s0], [sflag:$0x4] =	stream.linear.gather [hbm4b:s30+s2], $0x190, $0x38;
	[tilespmem:$0x19C80] =	vst v63  }
0xd9: {  	_ =	swait.ge [sflag:s6], $0x190  }
0xda: {  	[sflag:s6] =	ssyncset.done $0x0  }
0xdb: {  	s7 =	simm.s32 $0x7;
	[sflag:s6] =	ssyncadd.s32 $0xFFFFFE70  }
0xdc: {  	_ =	swait.ge [sflag:s7], $0x6400  }
0xdd: {  	[sflag:s7] =	ssyncset.done $0x0  }
0xde: {  	s31 =	simm.s32 $0x320;
	[sflag:s7] =	ssyncadd.s32 $0xFFFF9C00  }
0xdf: {  	[tilespmem:s12], [sflag:$0xB] =	stream.indirect.gather.add.f32 [hbm:s3], $0x40, s31, s28, $0xb8;
	[tilespmem:$0x19C80] =	vst v63  }
0xe0: {  	_ =	swait.ge [sflag:s13], $0x6400  }
0xe1: {  	[sflag:s13] =	ssyncset.done $0x0  }
0xe2: {  	s6 =	simm.s32 $0x640;
	[sflag:s13] =	ssyncadd.s32 $0xFFFF9C00  }
0xe3: {  	[hbm4b:s22+s2] =	stream.linear.scatter [tilespmem:s6], [sflag:$0xD], $0x6400, $0x38;
	[tilespmem:$0x19C80] =	vst v63  }
0xe4: {  	_ =	swait.ge [sflag:s26], $0x6400  }
0xe5: {  	[sflag:s26] =	ssyncset.done $0x0  }
0xe6: {  	s30 =	rddreg [dreg:$0x6];
	[sflag:s26] =	ssyncadd.s32 $0xFFFF9C00  }
0xe7: {  	[tilespmem:s14], [sflag:$0x8] =	stream.linear.gather [spmem:s1], $0x6400, $0x38;
	[tilespmem:$0x19C80] =	vst v63  }
0xe8: {  	s30 =	sadd.s32 s10, s30  }
0xe9: {  	[tilespmem:s2], [sflag:$0x1] =	stream.linear.gather [hbm4b:s30+s2], $0x190, $0x38;
	[tilespmem:$0x19C80] =	vst v63  }
0xea: {  	_ =	swait.ge [sflag:s15], $0x190  }
0xeb: {  	[sflag:s15] =	ssyncset.done $0x0  }
0xec: {  	[sflag:s15] =	ssyncadd.s32 $0xFFFFFE70  }
0xed: {  	_ =	swait.ge [sflag:s16], $0x6400  }
0xee: {  	[sflag:s16] =	ssyncset.done $0x0  }
0xef: {  	[sflag:s16] =	ssyncadd.s32 $0xFFFF9C00  }
0xf0: {  	[tilespmem:s14], [sflag:$0xC] =	stream.indirect.gather.add.f32 [hbm:s3], $0x40, s0, s28, $0xb8;
	[tilespmem:$0x19C80] =	vst v63  }
0xf1: {  	_ =	swait.ge [sflag:s5], $0x6400  }
0xf2: {  	[sflag:s5] =	ssyncset.done $0x0  }
0xf3: {  	s7 =	simm.s32 $0x6A40;
	[sflag:s5] =	ssyncadd.s32 $0xFFFF9C00  }
0xf4: {  	[hbm4b:s4+s2] =	stream.linear.scatter [tilespmem:s7], [sflag:$0xE], $0x6400, $0x38;
	[tilespmem:$0x19C80] =	vst v63  }
0xf5: {  	_ =	swait.ge [sflag:s18], $0x6400  }
0xf6: {  	[sflag:s18] =	ssyncset.done $0x0  }
0xf7: {  	s30 =	rddreg [dreg:$0x5];
	[sflag:s18] =	ssyncadd.s32 $0xFFFF9C00  }
0xf8: {  	[tilespmem:s6], [sflag:$0x5] =	stream.linear.gather [spmem:s1], $0x6400, $0x38;
	[tilespmem:$0x19C80] =	vst v63  }
0xf9: {  	s30 =	sadd.s32 s10, s30  }
0xfa: {  	[tilespmem:s28], [sflag:$0x2] =	stream.linear.gather [hbm4b:s30+s2], $0x190, $0x38;
	[tilespmem:$0x19C80] =	vst v63  }
0xfb: {  	_ =	swait.ge [sflag:s8], $0x190  }
0xfc: {  	[sflag:s8] =	ssyncset.done $0x0  }
0xfd: {  	[sflag:s8] =	ssyncadd.s32 $0xFFFFFE70  }
0xfe: {  	_ =	swait.ge [sflag:s9], $0x6400  }
0xff: {  	[sflag:s9] =	ssyncset.done $0x0  }
0x100: {  	[sflag:s9] =	ssyncadd.s32 $0xFFFF9C00  }
0x101: {  	[tilespmem:s6], [sflag:$0x9] =	stream.indirect.gather.add.f32 [hbm:s3], $0x40, s2, s28, $0xb8;
	[tilespmem:$0x19C80] =	vst v63  }
0x102: {  	_ =	swait.ge [sflag:s19], $0x6400  }
0x103: {  	[sflag:s19] =	ssyncset.done $0x0  }
0x104: {  	[sflag:s19] =	ssyncadd.s32 $0xFFFF9C00  }
0x105: {  	[hbm4b:s24+s2] =	stream.linear.scatter [tilespmem:s12], [sflag:$0xF], $0x6400, $0x38;
	[tilespmem:$0x19C80] =	vst v63  }
0x106: {  	_ =	swait.ge [sflag:s20], $0x6400  }
0x107: {  	[sflag:s20] =	ssyncset.done $0x0  }
0x108: {  	s30 =	rddreg [dreg:$0x4];
	[sflag:s20] =	ssyncadd.s32 $0xFFFF9C00  }
0x109: {  	[tilespmem:s7], [sflag:$0x6] =	stream.linear.gather [spmem:s1], $0x6400, $0x38;
	[tilespmem:$0x19C80] =	vst v63  }
0x10a: {  	s10 =	sadd.s32 s10, s30  }
0x10b: {  	[tilespmem:s31], [sflag:$0x3] =	stream.linear.gather [hbm4b:s10+s2], $0x190, $0x38;
	[tilespmem:$0x19C80] =	vst v63  }
0x10c: {  	s31 =	simm.s32 $0x2  }
0x10d: {  	_ =	swait.ge [sflag:s31], $0x190  }
0x10e: {  	[sflag:s31] =	ssyncset.done $0x0  }
0x10f: {  	[sflag:s31] =	ssyncadd.s32 $0xFFFFFE70  }
0x110: {  	s29 =	smov.u32 s23;
	_ =	swait.ge [sflag:s11], $0x6400  }
0x111: {  	p1 =	sne.s32 s17, $0xA28;
	s17 =	sadd.s32 $0xC8, s17;
	[sflag:s11] =	ssyncset.done $0x0  }
.Ltmp0:
0x112: {  	s23 =	sadd.s32 $0x3200, s23;
	[sflag:s11] =	ssyncadd.s32 $0xFFFF9C00;
	(pc) =	sbr.rel @p1 .LBB2_2-.Ltmp0, $4  }
0x113: {  	[tilespmem:s7], [sflag:$0xA] =	stream.indirect.gather.add.f32 [hbm:s3], $0x40, s28, s28, $0xb8;
	[tilespmem:$0x19C80] =	vst v63  }
0x114: {  	s22 =	sadd.s32 $0x3200, s22;
	s0 =	simm.s32 $0x640;
	_ =	swait.ge [sflag:s21], $0x6400  }
0x115: {  	s4 =	sadd.s32 $0x3200, s4;
	s6 =	simm.s32 $0x6A40;
	[sflag:s21] =	ssyncset.done $0x0  }
0x116: {  	s24 =	sadd.s32 $0x3200, s24;
	s30 =	simm.s32 $0x320;
	[sflag:s21] =	ssyncadd.s32 $0xFFFF9C00  }
0x117: {  	[hbm4b:s29+s2] =	stream.linear.scatter [tilespmem:s14], [sflag:$0x10], $0x6400, $0x38;
	[tilespmem:$0x19C80] =	vst v63  }
0x118: {  	_ =	swait.ge [sflag:s25], $0x6400  }
0x119: {  	[sflag:s25] =	ssyncset.done $0x0  }
0x11a: {  	s7 =	simm.s32 $0xCE40;
	[sflag:s25] =	ssyncadd.s32 $0xFFFF9C00  }
0x11b: {  	[tilespmem:s7], [sflag:$0x7] =	stream.linear.gather [spmem:s1], $0x6400, $0x38;
	[tilespmem:$0x19C80] =	vst v63  }
0x11c: {  	s8 =	simm.s32 $0x4B0;
	s11 =	simm.s32 $0x3;
	s4 =	rddreg [dreg:$0x13]  }
0x11d: {  	[tilespmem:s8], [sflag:$0x4] =	stream.linear.gather [hbm4b:s4+s2], $0x190, $0x38;
	[tilespmem:$0x19C80] =	vst v63  }
0x11e: {  	_ =	swait.ge [sflag:s11], $0x190  }
0x11f: {  	[sflag:s11] =	ssyncset.done $0x0  }
0x120: {  	s12 =	simm.s32 $0x7;
	[sflag:s11] =	ssyncadd.s32 $0xFFFFFE70  }
0x121: {  	_ =	swait.ge [sflag:s12], $0x6400  }
0x122: {  	[sflag:s12] =	ssyncset.done $0x0  }
0x123: {  	[sflag:s12] =	ssyncadd.s32 $0xFFFF9C00  }
0x124: {  	[tilespmem:s7], [sflag:$0xB] =	stream.indirect.gather.add.f32 [hbm:s3], $0x40, s30, s28, $0xb8;
	[tilespmem:$0x19C80] =	vst v63  }
0x125: {  	_ =	swait.ge [sflag:s13], $0x6400  }
0x126: {  	[sflag:s13] =	ssyncset.done $0x0  }
0x127: {  	s17 =	rddreg [dreg:$0x16];
	[sflag:s13] =	ssyncadd.s32 $0xFFFF9C00  }
0x128: {  	[hbm4b:s17+s2] =	stream.linear.scatter [tilespmem:s0], [sflag:$0xD], $0x6400, $0x38;
	[tilespmem:$0x19C80] =	vst v63  }
0x129: {  	_ =	swait.ge [sflag:s26], $0x6400  }
0x12a: {  	[sflag:s26] =	ssyncset.done $0x0  }
0x12b: {  	[sflag:s26] =	ssyncadd.s32 $0xFFFF9C00  }
0x12c: {  	[tilespmem:s14], [sflag:$0x8] =	stream.linear.gather [spmem:s1], $0x6400, $0x38;
	[tilespmem:$0x19C80] =	vst v63  }
0x12d: {  	_ =	swait.ge [sflag:s15], $0x190  }
0x12e: {  	[sflag:s15] =	ssyncset.done $0x0  }
0x12f: {  	[sflag:s15] =	ssyncadd.s32 $0xFFFFFE70  }
0x130: {  	_ =	swait.ge [sflag:s16], $0x6400  }
0x131: {  	[sflag:s16] =	ssyncset.done $0x0  }
0x132: {  	[sflag:s16] =	ssyncadd.s32 $0xFFFF9C00  }
0x133: {  	[tilespmem:s14], [sflag:$0xC] =	stream.indirect.gather.add.f32 [hbm:s3], $0x40, s8, s28, $0xb8;
	[tilespmem:$0x19C80] =	vst v63  }
0x134: {  	_ =	swait.ge [sflag:s5], $0x6400  }
0x135: {  	[sflag:s5] =	ssyncset.done $0x0  }
0x136: {  	s22 =	rddreg [dreg:$0x17];
	[sflag:s5] =	ssyncadd.s32 $0xFFFF9C00  }
0x137: {  	[hbm4b:s22+s2] =	stream.linear.scatter [tilespmem:s6], [sflag:$0xE], $0x6400, $0x38;
	[tilespmem:$0x19C80] =	vst v63  }
0x138: {  	_ =	swait.ge [sflag:s18], $0x6400  }
0x139: {  	[sflag:s18] =	ssyncset.done $0x0  }
0x13a: {  	[sflag:s18] =	ssyncadd.s32 $0xFFFF9C00  }
0x13b: {  	_ =	swait.ge [sflag:s19], $0x6400  }
0x13c: {  	[sflag:s19] =	ssyncset.done $0x0  }
0x13d: {  	s23 =	rddreg [dreg:$0x18];
	[sflag:s19] =	ssyncadd.s32 $0xFFFF9C00  }
0x13e: {  	[hbm4b:s23+s2] =	stream.linear.scatter [tilespmem:s7], [sflag:$0xF], $0x6400, $0x38;
	[tilespmem:$0x19C80] =	vst v63  }
0x13f: {  	_ =	swait.ge [sflag:s20], $0x6400  }
0x140: {  	[sflag:s20] =	ssyncset.done $0x0  }
0x141: {  	[sflag:s20] =	ssyncadd.s32 $0xFFFF9C00  }
0x142: {  	_ =	swait.ge [sflag:s21], $0x6400  }
0x143: {  	[sflag:s21] =	ssyncset.done $0x0  }
0x144: {  	s24 =	rddreg [dreg:$0x14];
	[sflag:s21] =	ssyncadd.s32 $0xFFFF9C00  }
0x145: {  	[hbm4b:s24+s2] =	stream.linear.scatter [tilespmem:s14], [sflag:$0x10], $0x6400, $0x38;
	[tilespmem:$0x19C80] =	vst v63  }
0x146: {  	_ =	swait.ge [sflag:s25], $0x6400  }
0x147: {  	[sflag:s25] =	ssyncset.done $0x0  }
0x148: {  	[sflag:s25] =	ssyncadd.s32 $0xFFFF9C00  }
0x149: {  	_ =	swait.ge [sflag:s26], $0x6400  }
0x14a: {  	s29 =	rddreg [dreg:$0x1f]  }
0x14b: {  	s30 =	rddreg [dreg:$0x19];
	s0 =	sadd.s32 $0x1, s29  }
0x14c: {  	p1 =	sne.s32 s0, s30  }
.Ltmp1:
0x14d: {  	_ = 	snop;
	(pc) =	sbr.rel @p1 .LBB2_1-.Ltmp1, $3  }
0x14e: {  	_ =	sdelay $0x1  }
0x14f: {  	s8 =	simm.s32 $0x6;
	[sflag:s26] =	ssyncset.done $0x0  }
0x150: {  	s6 =	simm.s32 $0x1;
	s7 =	simm.s32 $0x5;
	[sflag:s26] =	ssyncadd.s32 $0xFFFF9C00  }
0x151: {  	_ =	sfence.sel $0x180000  }
0x152: {  	[bflag:$0x0] =	sbarrier.arrive $0xFFFF  }
0x153: {  	_ =	strace $0x90000047  }
0x154: {  	[bflag:$0x2] =	sbarrier.arrive $0xFFFF  }
0x155: {  	s0 =	rddreg [dreg:$0x3]  }
0x156: {  	s0 =	sadd.s32 @!p0 $0x100000, s0  }
0x157: {  	[sflag:s0] =	ssyncadd.tile.s32 @!p0 $0x1;
	_ =	shalt  }
.Lfunc_end2:
_tile_overlayer_lowered:
.L_overlay_start_2:
0x158: {  	(tag) =	ssettag $0x2  }
0x159: {  	s0 =	rddreg [dreg:$0x0];
	s2 =	stileid.u32  }
0x15a: {  	s1 =	rddreg [dreg:$0x1];
	p0 =	sne.s32 s2, $0x0  }
0x15b: {  	s3 =	rddreg [dreg:$0x2];
	[bflag:$0x3] =	sbarrier.arrive $0xFFFF;
	s2 =	simm.s32 @!p0 $0x1C11  }
0x15c: {  	[timem:s3], [sflag:s2] =	dma.local @!p0 [hbm:s0], s1  }
0x15d: {  	s0 =	simm.s32 @!p0 $0x11  }
0x15e: {  	_ =	swait.ge @!p0 [sflag:s0], s1  }
0x15f: {  	s1 =	ssub.s32 @!p0 $0x0, s1;
	[sflag:s0] =	ssyncset.done @!p0 $0x0  }
0x160: {  	[sflag:s0] =	ssyncadd.s32 @!p0 s1  }
0x161: {  	[bflag:$0x3] =	sbarrier.arrive $0xFFFF  }
0x162: {  	_ =	shalt  }

// kernel: sparse-core-data-format-call.cloned.1.call-start
scs
called_computation_lowered:
.L_overlay_start_0:
0x0: {  	s2 =	sld [smem:$0x3FD9]  }
0x1: {  	s3 =	sld [smem:$0x3FFE];
	_ =	sdelay $0x1  }
0x2: {  	s1 =	srdreg.scid  }
0x3: {  	s0 =	sand.u32 $0x1, s1  }
0x4: {  	s18 =	sshll.u32 s0, $0xA;
	s2 =	sadd.s32 s3, s2  }
0x5: {  	s2 =	sadd.s32 s2, s18  }
0x6: {  	[smem:$0x3FC5] =	sst s2  }
0x7: {  	_ = 	snop  }
0x8: {  	s2 =	sld [smem:$0x3FD0];
	(tm) =	ssettm $0x1  }
0x9: {  	s19 =	sld [smem:$0x3FFB];
	_ =	sdelay $0x3  }
0xa: {  	_ =	strace s19  }
0xb: {  	s3 =	sld [smem:$0x3FFC];
	_ =	sdelay $0x3  }
0xc: {  	_ =	strace s3  }
0xd: {  	s3 =	sld [smem:$0x3FFD];
	_ =	sdelay $0x3  }
0xe: {  	_ =	strace s3  }
0xf: {  	_ =	strace $0x8FFFFFFF  }
0x10: {  	s20 =	sld [smem:$0x3FDB];
	_ =	sdelay $0x1  }
0x11: {  	s4 =	simm.s32 $_scs_section_size  }
0x12: {  	s5 =	simm.s32 $_size__tile_overlayer_lowered;
	s6 =	simm.s32 $_tile_overlayer_lowered  }
0x13: {  	s23 =	simm.s32 $0x1BFF;
	s22 =	sshll.u32 s6, $0x1;
	s3 =	sadd.s32 s4, s20  }
0x14: {  	s7 =	simm.s32 $0x0;
	s21 =	sshll.u32 s5, $0x1;
	s5 =	sadd.s32 s22, s3  }
0x15: {  	[timem:s7], [sflag:s23] =	dma.local [hbm:s5], s21  }
0x16: {  	_ =	swait.ge [sflag:s23], s21  }
0x17: {  	s4 =	ssub.s32 $0x0, s21;
	[sflag:s23] =	ssyncset.done $0x0  }
0x18: {  	[sflag:s23] =	ssyncadd.s32 s4;
	_ =	sdelay $0x1  }
0x19: {  	s24 =	simm.s32 $0x1B8B  }
0x1a: {  	_ =	swait.ge [sflag:s24], $0x1  }
0x1b: {  	[sflag:s24] =	ssyncset.done $0x0  }
0x1c: {  	s26 =	simm.s32 $0x1B8E;
	s25 =	sld [smem:$0x3FFE];
	[sflag:s24] =	ssyncadd.s32 $0xFFFFFFFF  }
0x1d: {  	s27 =	simm.s32 $execute0_lowered;
	[smem:$0x3FD2] =	sst s26  }
0x1e: {  	s5 =	sshll.u32 s27, $0x1;
	_ =	strace $0x80000049;
	[dreg:$0x1] =	wrdreg $0xFFFFFFFF  }
0x1f: {  	s28 =	simm.s32 $_size_execute0_lowered;
	s3 =	sadd.s32 s3, s5;
	[dreg:$0x0] =	wrdreg $0x0  }
0x20: {  	s5 =	sshll.u32 s28, $0x1;
	[dreg:$0x2] =	wrdreg s3  }
0x21: {  	[dreg:$0x3] =	wrdreg s5  }
0x22: {  	[dreg:$0x4] =	wrdreg $0xC0  }
0x23: {  	_ =	task [dreg:s7], $0x5FFFF  }
0x24: {  	[dreg:$0x1] =	wrdreg $0xFFFFFFFF  }
0x25: {  	[dreg:$0x0] =	wrdreg $0x60  }
0x26: {  	[dreg:$0x2] =	wrdreg s25  }
0x27: {  	[dreg:$0x3] =	wrdreg s2  }
0x28: {  	[dreg:$0x4] =	wrdreg $0x9  }
0x29: {  	_ =	task.clear_ibuf [dreg:s7], $0x5FFFF;
	_ =	strace $0x90000049  }
0x2a: {  	s29 =	simm.s32 $0x9;
	_ =	strace $0x8000004B  }
0x2b: {  	_ =	swait.ge [sflag:s29], $0x1  }
0x2c: {  	[sflag:s29] =	ssyncadd.s32 $0xFFFFFFFF  }
0x2d: {  	_ =	strace $0x9000004B  }
0x2e: {  	_ =	sfence  }
0x2f: {  	s30 =	sld [smem:$0x0];
	_ =	sdelay $0x2  }
0x30: {  	s31 =	sshll.u32 s1, $0xD;
	s1 =	sshrl.u32 s1, $0x2  }
0x31: {  	s3 =	sand.u32 $0x4000, s31;
	s1 =	sadd.s32 s1, s30  }
0x32: {  	s0 =	sor.u32 s3, s0;
	s1 =	sshll.u32 s1, $0x11  }
0x33: {  	s0 =	sor.u32 s1, s0  }
0x34: {  	s0 =	sadd.s32 $0x8F2B, s0  }
0x35: {  	[sflag:s0] =	ssyncadd.remote.s32 $0x1  }
0x36: {  	_ =	sfence.sel $0xFFFF  }
0x37: {  	[dreg:$0x0] =	wrdreg $0xFFFFFFFF;
	(pc) =	sbr.abs _section_cstart, $3  }
0x38: {  	[dreg:$0x1] =	wrdreg $0xFFFFFFFF  }
0x39: {  	_ =	task.clear_ibuf [dreg:s7], $0x2FFFF;
	_ =	strace $0x9FFFFFFF  }
0x3a: {  	(tm) =	ssettm $0x7FFFFFFF  }
0x3b: {  	_ =	shalt  }
tec
execute0_lowered:
.L_overlay_start_1:
0x0: {  	(tag) =	ssettag $0x1  }
0x1: {  	s0 =	srdreg.scid  }
0x2: {  	s1 =	sshll.u32 s0, $0x4  }
0x3: {  	s0 =	stileid.u32;
	s1 =	sand.u32 $0x10, s1  }
0x4: {  	s1 =	sor.u32 s0, s1  }
0x5: {  	s6 =	rddreg [dreg:$0x0];
	s4 =	simm.s32 $0x1;
	s2 =	sshll.u32 s1, $0x7  }
0x6: {  	s7 =	simm.s32 $0x2;
	s12 =	simm.s32 $0x0;
	s1 =	ssub.s32 $0x1000, s2  }
0x7: {  	s8 =	simm.s32 $0x8000;
	s13 =	simm.s32 $0x0;
	s3 =	sand.u32 $0xF80, s1  }
0x8: {  	s9 =	simm.s32 $0x0;
	s5 =	sshrl.u32 s1, $0xC;
	p0 =	sne.s32 s3, $0x0  }
.Ltmp0:
0x9: {  	s1 =	rddreg [dreg:$0x2];
	s4 =	simm.s32 @!p0 $0x0;
	(pc) =	sbr.rel .LBB1_1-.Ltmp0, $4  }
0xa: {  	s11 =	simm.s32 $0x0;
	s3 =	rddreg [dreg:$0x1];
	s5 =	sadd.s32 s4, s5  }
0xb: {  	_ =	strace $0x8000004A;
	s4 =	simm.s32 $0x1;
	s5 =	smul.u32 $0xC8, s5  }
0xc: {  	s6 =	sadd.s32 $0xC00, s6;
	s10 =	smov.u32 s2;
	[sflag:s4] =	ssyncpa.u1 $0x0  }
0xd: {  	p0 =	por $0x0, $0x0;
	[sflag:s7] =	ssyncpa.u1 $0x0;
	s7 =	sor.u32 $0x1, s5  }
.LBB1_4:
0xe: {  	s16 =	sshll.u32 s13, $0x3;
	s17 =	sand.u32 $0x78, s13  }
0xf: {  	s30 =	sand.u32 $0x7E00, s13;
	s12 =	sshll.u32 s12, $0xF;
	s16 =	sand.u32 $0xC00, s16  }
0x10: {  	[tilespmem:s15+$0x810 ss:$0x81] =	vst.msk $0xffff, v2;
	s31 =	sand.u32 $0x7, s13;
	s16 =	sor.u32 s17, s16;
	s17 =	sadd.s32 s3, s30  }
0x11: {  	[tilespmem:s15+$0x1020 ss:$0x81] =	vst.msk $0xffff, v0;
	s13 =	sshll.u32 s31, $0x12;
	s12 =	sadd.s32 s12, s17;
	s16 =	sshrl.u32 s16, $0x3  }
0x12: {  	[tilespmem:s15+$0x0 ss:$0x81] =	vst.msk $0xffff, v1;
	s13 =	sor.u32 $0x400, s13;
	s12 =	sadd.s32 s16, s12  }
0x13: {  	[hbm4b:s12+s13] =	stream.strided.scatter [tilespmem:s14], [sflag:$0x2], $0x2000, s8, s13, $0x20;
	[tilespmem:$0x8080] =	vst v63  }
.LBB1_5:
0x14: {  	s14 =	sadd.s32 $0x1, s9  }
0x15: {  	s12 =	sadd.s32 $0x1000, s10;
	s16 =	smov.u32 s10;
	p2 =	sgt.s32 s14, $0xC7  }
0x16: {  	s16 =	smov.u32 @p2 s12  }
0x17: {  	s14 =	simm.s32 @p2 $0x0;
	p2 =	sgt.s32 s16, $0xFFF  }
0x18: {  	s16 =	smov.u32 @p2 s2;
	p2 =	sne.s32 s11, s7  }
.Ltmp1:
0x19: {  	p1 =	slt.u32 s11, $0x2;
	(pc) =	sbr.rel @!p2 .LBB1_6-.Ltmp1, $4  }
0x1a: {  	s15 =	simm.s32 @!p1 $0x2  }
0x1b: {  	s13 =	smov.u32 s10;
	p0 =	por !p0, !p0;
	_ =	swait.ge @!p1 [sflag:s15], $0x2000  }
0x1c: {  	s12 =	smov.u32 s9;
	[sflag:s15] =	ssyncset.done @!p1 $0x0;
	s9 =	smov.u32 s14  }
0x1d: {  	s11 =	sadd.s32 $0x1, s11;
	[sflag:s15] =	ssyncadd.s32 @!p1 $0xFFFFE000;
	s10 =	smov.u32 s16  }
.LBB1_1:
0x1e: {  	p1 =	sge.u32 s11, s5  }
0x1f: {  	s14 =	sand.u32 @!p1 $0x1FFFFFF, s9  }
0x20: {  	s15 =	smulhi.u32 @!p1 $0x147AE15, s14;
	_ =	sdelay $0x1  }
0x21: {  	s15 =	smul.u32 @!p1 $0xC8, s15  }
0x22: {  	s16 =	sxor.u32 @!p1 $0xFFFFFFFF, s11;
	s17 =	smul.u32 @!p1 $0xC80, s10  }
0x23: {  	s31 =	sadd.s32 $0xFFFFFFFF, s11;
	s16 =	sshll.u32 @!p1 s16, $0xD;
	s14 =	ssub.s32 @!p1 s14, s15  }
0x24: {  	s15 =	sand.u32 @!p1 $0x2000, s16;
	s16 =	sadd.s32 @!p1 s6, s17;
	s14 =	sshll.u32 @!p1 s14, $0x4  }
0x25: {  	s17 =	simm.s32 @!p1 $0x6400;
	s14 =	sadd.s32 @!p1 s14, s16;
	s16 =	simm.s32 @!p1 $0x40  }
0x26: {  	[tilespmem:s15], [sflag:$0x1] =	stream.strided.gather @!p1 [hbm4b:s14+s16], $0x2000, s17, s16, $0x38;
	[tilespmem:$0x8080] =	vst v63  }
0x27: {  	p1 =	sge.u32 s31, s5  }
.Ltmp2:
0x28: {  	_ = 	snop;
	(pc) =	sbr.rel @p1 .LBB1_5-.Ltmp2, $1  }
0x29: {  	_ =	sdelay $0x3  }
0x2a: {  	s14 =	simm.s32 $0x1  }
0x2b: {  	_ =	swait.ge [sflag:s4], $0x2000;
	s14 =	simm.s32 @!p0 $0x0  }
0x2c: {  	[sflag:s4] =	ssyncset.done $0x0;
	s15 =	sshll.u32 s14, $0xD  }
0x2d: {  	[sflag:s4] =	ssyncadd.s32 $0xFFFFE000;
	s18 =	sor.u32 $0x20, s15  }
0x2e: {  	s14 =	smul.u32 $0x8100, s14;
	v3 =	vld [tilespmem:s18+$0x10]  }
0x2f: {  	s30 =	sand.u32 $0x1, s11;
	v2 =	vld [tilespmem:s18+$0xFFFFFFF0]  }
0x30: {  	s15 =	smul.u32 $0x8100, s30;
	s14 =	sshrl.u32 s14, $0x2;
	v0 =	vld [tilespmem:s18+$0x0]  }
0x31: {  	v1 =	vld [tilespmem:s18+$0xFFFFFFE0];
	s16 =	sor.u32 $0x4000, s14  }
0x32: {  	s31 =	sshrl.u32 s15, $0x2;
	s15 =	sadd.s32 $0x0, s16  }
0x33: {  	s17 =	simm.s32 $0x4;
	s18 =	sadd.s32 $0x40, s18;
	s14 =	sor.u32 $0x4000, s31;
	[tilespmem:s15+$0x1830 ss:$0x81] =	vst.msk $0xffff, v3  }
.LBB1_3:
0x34: {  	v3 =	vld [tilespmem:s18+$0x10];
	p1 =	sne.s32 s17, $0x1FC;
	[tilespmem:s15+$0x810 ss:$0x81] =	vst.msk $0xffff, v2;
	s19 =	smov.u32 s17;
	s17 =	sadd.s32 $0x4, s17  }
.Ltmp3:
0x35: {  	v2 =	vld [tilespmem:s18+$0xFFFFFFF0];
	[tilespmem:s15+$0x1020 ss:$0x81] =	vst.msk $0xffff, v0;
	(pc) =	sbr.rel @p1 .LBB1_3-.Ltmp3, $4  }
0x36: {  	v0 =	vld [tilespmem:s18+$0x0];
	[tilespmem:s15+$0x0 ss:$0x81] =	vst.msk $0xffff, v1  }
0x37: {  	s15 =	sshra.s32 s19, $0x2;
	v1 =	vld [tilespmem:s18+$0xFFFFFFE0]  }
0x38: {  	s15 =	sadd.s32 s15, s16  }
0x39: {  	s18 =	sadd.s32 $0x40, s18;
	[tilespmem:s15+$0x1830 ss:$0x81] =	vst.msk $0xffff, v3  }
.Ltmp4:
0x3a: {  	_ = 	snop;
	(pc) =	sbr.rel .LBB1_4-.Ltmp4, $1  }
0x3b: {  	_ =	sdelay $0x3  }
.LBB1_6:
0x3c: {  	_ =	sfence.sel $0x180000  }
0x3d: {  	s2 =	simm.s32 $0x1;
	[bflag:$0x0] =	sbarrier.arrive $0xFFFF  }
0x3e: {  	s31 =	simm.s32 $0x2;
	[sflag:s2] =	ssyncpa.u1 $0x1  }
0x3f: {  	[sflag:s31] =	ssyncpa.u1 $0x1  }
0x40: {  	p0 =	sne.s32 s0, $0x0;
	_ =	strace $0x9000004A  }
0x41: {  	s0 =	sadd.s32 @!p0 $0x100000, s1;
	[bflag:$0x2] =	sbarrier.arrive $0xFFFF  }
0x42: {  	[sflag:s0] =	ssyncadd.tile.s32 @!p0 $0x1;
	_ =	shalt  }
.Lfunc_end1:
_tile_overlayer_lowered:
.L_overlay_start_2:
0x43: {  	(tag) =	ssettag $0x2  }
0x44: {  	s0 =	rddreg [dreg:$0x0];
	s2 =	stileid.u32  }
0x45: {  	s1 =	rddreg [dreg:$0x1];
	p0 =	sne.s32 s2, $0x0  }
0x46: {  	s3 =	rddreg [dreg:$0x2];
	[bflag:$0x3] =	sbarrier.arrive $0xFFFF;
	s2 =	simm.s32 @!p0 $0x1C01  }
0x47: {  	[timem:s3], [sflag:s2] =	dma.local @!p0 [hbm:s0], s1  }
0x48: {  	s0 =	simm.s32 @!p0 $0x1  }
0x49: {  	_ =	swait.ge @!p0 [sflag:s0], s1  }
0x4a: {  	s1 =	ssub.s32 @!p0 $0x0, s1;
	[sflag:s0] =	ssyncset.done @!p0 $0x0  }
0x4b: {  	[sflag:s0] =	ssyncadd.s32 @!p0 s1  }
0x4c: {  	[bflag:$0x3] =	sbarrier.arrive $0xFFFF  }
0x4d: {  	_ =	shalt  }

</sc_bundles>
